<compile_context>
chip_gen: v7x
topology: tpu7x:2x2x1
jax: 0.10.2.dev20260603
libtpu: 0.0.44.dev20260713+nightly
codegen_flags: <defaults>
</compile_context>

<pallas_src>
import functools

import jax
import jax.numpy as jnp
from jax import lax
from jax.experimental import pallas as pl
from jax.experimental.pallas import tpu as pltpu
from jax.experimental.pallas import tpu_sc as plsc

UNITS = 128
REPS = 5
N_NODES = 10000
N_EDGES = 320000

NUM_CORES = 2
NUM_SUBCORES = 16
NUM_WORKERS = NUM_CORES * NUM_SUBCORES
CHUNK = 128
N_CHUNKS = 79
EDGES_PER_WORKER = N_CHUNKS * CHUNK
EDGES_PAD = NUM_WORKERS * EDGES_PER_WORKER
ACC_ROWS_PER_SUBCORE = 640
ACC_ROWS = ACC_ROWS_PER_SUBCORE * NUM_SUBCORES


def _sc_segment_sum_body(state_hbm, src_hbm, dst_hbm, zeros_hbm, out_hbm,
                         acc_smem, src_v, dst_v, rows_v, sem):
    cid = lax.axis_index("c")
    sid = lax.axis_index("s")
    wid = cid * NUM_SUBCORES + sid

    pltpu.sync_copy(zeros_hbm, acc_smem.at[pl.ds(sid * ACC_ROWS_PER_SUBCORE,
                                                 ACC_ROWS_PER_SUBCORE)])
    pltpu.sync_copy(src_hbm.at[wid], src_v)
    pltpu.sync_copy(dst_hbm.at[wid], dst_v)
    plsc.subcore_barrier()

    def chunk_step(j, carry):
        pltpu.async_copy(state_hbm.at[src_v.at[j]], rows_v, sem).wait()
        pltpu.sync_copy(rows_v, acc_smem.at[dst_v.at[j]], add=True)
        return carry

    lax.fori_loop(0, N_CHUNKS, chunk_step, 0)
    plsc.subcore_barrier()

    pltpu.sync_copy(
        acc_smem.at[pl.ds(sid * ACC_ROWS_PER_SUBCORE, ACC_ROWS_PER_SUBCORE)],
        out_hbm.at[cid, pl.ds(sid * ACC_ROWS_PER_SUBCORE, ACC_ROWS_PER_SUBCORE)])


@functools.cache
def _sc_segment_sum():
    return pl.kernel(
        _sc_segment_sum_body,
        out_type=jax.ShapeDtypeStruct((NUM_CORES, ACC_ROWS, UNITS), jnp.float32),
        mesh=plsc.VectorSubcoreMesh(core_axis_name="c", subcore_axis_name="s",
                                    num_cores=NUM_CORES,
                                    num_subcores=NUM_SUBCORES),
        scratch_types=[
            pltpu.VMEM_SHARED((ACC_ROWS, UNITS), jnp.float32),
            pltpu.VMEM((N_CHUNKS, CHUNK), jnp.int32),
            pltpu.VMEM((N_CHUNKS, CHUNK), jnp.int32),
            pltpu.VMEM((CHUNK, UNITS), jnp.float32),
            pltpu.SemaphoreType.DMA,
        ],
    )


def _tc_dense_body(parts_ref, w_ref, bl_ref, gk_ref, gb_ref, out_ref):
    x = parts_ref[0] + parts_ref[1]
    h1 = jnp.dot(x, w_ref[...], preferred_element_type=jnp.float32) + bl_ref[...]
    mx = jnp.dot(h1, gk_ref[...], preferred_element_type=jnp.float32) + gb_ref[0:1, :]
    rec = gb_ref[1:2, :]
    z = jax.nn.sigmoid(mx[:, :UNITS] + rec[:, :UNITS])
    r = jax.nn.sigmoid(mx[:, UNITS:2 * UNITS] + rec[:, UNITS:2 * UNITS])
    hh = jnp.tanh(mx[:, 2 * UNITS:] + r * rec[:, 2 * UNITS:])
    res = (1.0 - z) * hh
    sq = jnp.sum(res * res, axis=1, keepdims=True)
    res = res * lax.rsqrt(jnp.maximum(sq, 1e-12))
    row = (pl.program_id(0) * _TC_BLOCK
           + lax.broadcasted_iota(jnp.int32, (_TC_BLOCK, 1), 0))
    out_ref[...] = jnp.where(row < N_NODES, res, 0.0)


_TC_BLOCK = 2048


def _tc_dense(parts, w, bl, gk, gb):
    grid = ACC_ROWS // _TC_BLOCK
    return pl.pallas_call(
        _tc_dense_body,
        grid=(grid,),
        in_specs=[
            pl.BlockSpec((NUM_CORES, _TC_BLOCK, UNITS), lambda i: (0, i, 0)),
            pl.BlockSpec((UNITS, UNITS), lambda i: (0, 0)),
            pl.BlockSpec((1, UNITS), lambda i: (0, 0)),
            pl.BlockSpec((UNITS, 3 * UNITS), lambda i: (0, 0)),
            pl.BlockSpec((2, 3 * UNITS), lambda i: (0, 0)),
        ],
        out_specs=pl.BlockSpec((_TC_BLOCK, UNITS), lambda i: (i, 0)),
        out_shape=jax.ShapeDtypeStruct((ACC_ROWS, UNITS), jnp.float32),
    )(parts, w, bl, gk, gb)


def kernel(message, edge_index, W_lin, b_lin, gru_kernel, gru_rec_kernel, gru_bias):
    del gru_rec_kernel
    src = edge_index[0].astype(jnp.int32)
    dst = edge_index[1].astype(jnp.int32)
    real_per_worker = N_EDGES // NUM_WORKERS
    pad_per_worker = EDGES_PER_WORKER - real_per_worker
    pad_i = jnp.arange(pad_per_worker, dtype=jnp.int32)
    pad_src = jnp.broadcast_to(N_NODES + pad_i, (NUM_WORKERS, pad_per_worker))
    pad_dst = ((jnp.arange(NUM_WORKERS, dtype=jnp.int32) % NUM_SUBCORES)
               [:, None] * ACC_ROWS_PER_SUBCORE + pad_i[None, :])
    src2 = jnp.concatenate(
        [src.reshape(NUM_WORKERS, real_per_worker), pad_src],
        axis=1).reshape(NUM_WORKERS, N_CHUNKS, CHUNK)
    dst3 = jnp.concatenate(
        [dst.reshape(NUM_WORKERS, real_per_worker), pad_dst],
        axis=1).reshape(NUM_WORKERS, N_CHUNKS, CHUNK)
    zeros = jnp.zeros((ACC_ROWS_PER_SUBCORE, UNITS), jnp.float32)
    bl2 = b_lin.reshape(1, UNITS)

    state = jnp.concatenate(
        [message, jnp.zeros((ACC_ROWS - N_NODES, UNITS), jnp.float32)])
    outs = []
    for _ in range(REPS):
        parts = _sc_segment_sum()(state, src2, dst3, zeros)
        state = _tc_dense(parts, W_lin, bl2, gru_kernel, gru_bias)
        outs.append(state)
    out = jnp.concatenate(outs, axis=-1)[:N_NODES]
    return jnp.reshape(out, (N_NODES, UNITS, REPS))

# --- scband reference (transcript-rebuilt; emitter-appended) ---
"""Pipeline reference for scband-dr-bcrnn-1992864825830 (READ-ONLY COPY).

The authoritative reference and input builder live on the scoring server;
editing this copy changes nothing except your own understanding.
"""

import jax, jax.numpy as jnp
import numpy as np

UNITS = 128
REPS = 5
N_NODES = 10000
N_EDGES = 320000


def setup_inputs(seed: int = 0) -> dict:
    key = jax.random.key(seed)
    k_msg, k_ei, k_wl, k_bl, k_gk, k_gr, k_gb = jax.random.split(key, 7)
    message = jax.random.normal(k_msg, (N_NODES, UNITS), dtype=jnp.float32)
    edge_index = jax.random.randint(k_ei, (2, N_EDGES), 0, N_NODES, dtype=jnp.int64)
    W_lin = jax.random.normal(k_wl, (UNITS, UNITS), dtype=jnp.float32) * 0.05
    b_lin = jnp.zeros((UNITS,), dtype=jnp.float32)
    gru_kernel = jax.random.normal(k_gk, (UNITS, 3 * UNITS), dtype=jnp.float32) * 0.05
    gru_rec_kernel = jax.random.normal(k_gr, (UNITS, 3 * UNITS), dtype=jnp.float32) * 0.05
    gru_bias = jnp.zeros((2, 3 * UNITS), dtype=jnp.float32)
    return {"message": message, "edge_index": edge_index, "W_lin": W_lin,
            "b_lin": b_lin, "gru_kernel": gru_kernel,
            "gru_rec_kernel": gru_rec_kernel, "gru_bias": gru_bias}


def _gru_single_step(x, kernel, rec_kernel, bias):
    # Keras GRU (v3, reset_after=True), seq_len=1, zero initial state.
    units = kernel.shape[1] // 3
    h = jnp.zeros((x.shape[0], units), dtype=x.dtype)
    matrix_x = x @ kernel + bias[0]
    matrix_inner = h @ rec_kernel + bias[1]
    x_z, x_r, x_h = jnp.split(matrix_x, 3, axis=-1)
    rec_z, rec_r, rec_h = jnp.split(matrix_inner, 3, axis=-1)
    z = jax.nn.sigmoid(x_z + rec_z)
    r = jax.nn.sigmoid(x_r + rec_r)
    hh = jnp.tanh(x_h + r * rec_h)
    return z * h + (1.0 - z) * hh


def _l2_normalize(x, axis, eps=1e-12):
    sq = jnp.sum(jnp.square(x), axis=axis, keepdims=True)
    return x * jax.lax.rsqrt(jnp.maximum(sq, eps))


def reference(message, edge_index, W_lin, b_lin, gru_kernel, gru_rec_kernel, gru_bias):
    N = message.shape[0]
    src = edge_index[0]
    dst = edge_index[1]
    states = [message]
    for rep in range(REPS):
        gathered = jnp.take(states[rep], src, axis=0)
        n2n_pool = jax.ops.segment_sum(gathered, dst, num_segments=N)
        node_representations = n2n_pool @ W_lin + b_lin
        combined = _gru_single_step(node_representations, gru_kernel, gru_rec_kernel, gru_bias)
        res = _l2_normalize(combined, axis=1)
        states.append(res)
    out = jnp.concatenate(states[1:], axis=-1)
    out = jnp.reshape(out, (N, UNITS, REPS))
    return out

if __name__ == "__main__":
    import jax
    _d = setup_inputs()
    print(jax.jit(kernel)(*tuple(_d.values())))

</pallas_src>

<mosaic_0001>
#map = affine_map<(d0, d1) -> (0, 0)>
#map1 = affine_map<(d0, d1) -> (0, 0, 0)>
module attributes {stable_mosaic.version = 14 : i64} {
  func.func @_sc_segment_sum_body(%arg0: i32, %arg1: i32, %arg2: memref<10240x128xf32, #tpu.memory_space<hbm>>, %arg3: memref<32x79x128xi32, #tpu.memory_space<hbm>>, %arg4: memref<32x79x128xi32, #tpu.memory_space<hbm>>, %arg5: memref<640x128xf32, #tpu.memory_space<hbm>>, %arg6: memref<2x10240x128xf32, #tpu.memory_space<hbm>>, %arg7: memref<10240x128xf32, #tpu.memory_space<vmem_shared>>, %arg8: memref<79x128xi32, #tpu.memory_space<vmem>>, %arg9: memref<79x128xi32, #tpu.memory_space<vmem>>, %arg10: memref<128x128xf32, #tpu.memory_space<vmem>>, %arg11: memref<!tpu.dma_semaphore, #tpu.memory_space<semaphore_mem>>) attributes {dimension_semantics = [#tpu.dimension_semantics<core_parallel>, #tpu.dimension_semantics<subcore_parallel>], iteration_bounds = array<i64: 2, 16>, scalar_prefetch = 0 : i64, scratch_operands = 5 : i64, tpu.core_type = #tpu.core_type<sc_vector_subcore>, window_params = [{transform_indices = #map}, {transform_indices = #map1}, {transform_indices = #map1}, {transform_indices = #map}, {transform_indices = #map1}]} {
    %mul3A = arith.constant 16 : i32
    %mul3A_0 = arith.muli %arg0, %mul3A : i32
    %add3A = arith.addi %mul3A_0, %arg1 : i32
    %mul3A_1 = arith.constant 640 : i32
    %mul3A_2 = arith.muli %arg1, %mul3A_1 : i32
    "tpu.region"() ({
      %run_scoped3A = tpu.sem_alloc : memref<!tpu.dma_semaphore, #tpu.memory_space<semaphore_mem>>
      %dma_start3A = arith.constant 0 : i32
      %dma_start3A_13 = tpu.memref_slice %arg7[%mul3A_2, %dma_start3A] : memref<10240x128xf32, #tpu.memory_space<vmem_shared>> -> memref<640x128xf32, #tpu.memory_space<vmem_shared>>
      tpu.enqueue_dma source(%arg5 : memref<640x128xf32, #tpu.memory_space<hbm>>) target(%dma_start3A_13 : memref<640x128xf32, #tpu.memory_space<vmem_shared>>) target_semaphore(%run_scoped3A : memref<!tpu.dma_semaphore, #tpu.memory_space<semaphore_mem>>)
      %dma_wait3A = arith.constant 0 : i32
      %dma_wait3A_14 = tpu.memref_slice %arg7[%mul3A_2, %dma_wait3A] : memref<10240x128xf32, #tpu.memory_space<vmem_shared>> -> memref<640x128xf32, #tpu.memory_space<vmem_shared>>
      tpu.wait_dma2 semaphore(%run_scoped3A : memref<!tpu.dma_semaphore, #tpu.memory_space<semaphore_mem>>) src(%arg5 : memref<640x128xf32, #tpu.memory_space<hbm>>) dst(%dma_wait3A_14 : memref<640x128xf32, #tpu.memory_space<vmem_shared>>)
      tpu.yield
    }) : () -> ()
    "tpu.region"() ({
      %run_scoped3A = tpu.sem_alloc : memref<!tpu.dma_semaphore, #tpu.memory_space<semaphore_mem>>
      %dma_start3A = arith.constant 0 : i32
      %dma_start3A_13 = arith.constant 0 : i32
      %dma_start3A_14 = tpu.memref_slice %arg3[%add3A, %dma_start3A, %dma_start3A_13] : memref<32x79x128xi32, #tpu.memory_space<hbm>> -> memref<1x79x128xi32, #tpu.memory_space<hbm>>
      %dma_start3A_15 = tpu.memref_squeeze %dma_start3A_14 : memref<1x79x128xi32, #tpu.memory_space<hbm>> -> memref<79x128xi32, #tpu.memory_space<hbm>>
      %dma_start3A_16 = arith.constant 0 : i32
      %dma_start3A_17 = arith.constant 0 : i32
      %dma_start3A_18 = tpu.memref_slice %arg3[%add3A, %dma_start3A_16, %dma_start3A_17] : memref<32x79x128xi32, #tpu.memory_space<hbm>> -> memref<1x79x128xi32, #tpu.memory_space<hbm>>
      %dma_start3A_19 = tpu.memref_squeeze %dma_start3A_18 : memref<1x79x128xi32, #tpu.memory_space<hbm>> -> memref<79x128xi32, #tpu.memory_space<hbm>>
      tpu.enqueue_dma source(%dma_start3A_19 : memref<79x128xi32, #tpu.memory_space<hbm>>) target(%arg8 : memref<79x128xi32, #tpu.memory_space<vmem>>) target_semaphore(%run_scoped3A : memref<!tpu.dma_semaphore, #tpu.memory_space<semaphore_mem>>)
      %dma_wait3A = arith.constant 0 : i32
      %dma_wait3A_20 = arith.constant 0 : i32
      %dma_wait3A_21 = tpu.memref_slice %arg3[%add3A, %dma_wait3A, %dma_wait3A_20] : memref<32x79x128xi32, #tpu.memory_space<hbm>> -> memref<1x79x128xi32, #tpu.memory_space<hbm>>
      %dma_wait3A_22 = tpu.memref_squeeze %dma_wait3A_21 : memref<1x79x128xi32, #tpu.memory_space<hbm>> -> memref<79x128xi32, #tpu.memory_space<hbm>>
      %dma_wait3A_23 = arith.constant 0 : i32
      %dma_wait3A_24 = arith.constant 0 : i32
      %dma_wait3A_25 = tpu.memref_slice %arg3[%add3A, %dma_wait3A_23, %dma_wait3A_24] : memref<32x79x128xi32, #tpu.memory_space<hbm>> -> memref<1x79x128xi32, #tpu.memory_space<hbm>>
      %dma_wait3A_26 = tpu.memref_squeeze %dma_wait3A_25 : memref<1x79x128xi32, #tpu.memory_space<hbm>> -> memref<79x128xi32, #tpu.memory_space<hbm>>
      tpu.wait_dma2 semaphore(%run_scoped3A : memref<!tpu.dma_semaphore, #tpu.memory_space<semaphore_mem>>) src(%dma_wait3A_26 : memref<79x128xi32, #tpu.memory_space<hbm>>) dst(%arg8 : memref<79x128xi32, #tpu.memory_space<vmem>>)
      tpu.yield
    }) : () -> ()
    "tpu.region"() ({
      %run_scoped3A = tpu.sem_alloc : memref<!tpu.dma_semaphore, #tpu.memory_space<semaphore_mem>>
      %dma_start3A = arith.constant 0 : i32
      %dma_start3A_13 = arith.constant 0 : i32
      %dma_start3A_14 = tpu.memref_slice %arg4[%add3A, %dma_start3A, %dma_start3A_13] : memref<32x79x128xi32, #tpu.memory_space<hbm>> -> memref<1x79x128xi32, #tpu.memory_space<hbm>>
      %dma_start3A_15 = tpu.memref_squeeze %dma_start3A_14 : memref<1x79x128xi32, #tpu.memory_space<hbm>> -> memref<79x128xi32, #tpu.memory_space<hbm>>
      %dma_start3A_16 = arith.constant 0 : i32
      %dma_start3A_17 = arith.constant 0 : i32
      %dma_start3A_18 = tpu.memref_slice %arg4[%add3A, %dma_start3A_16, %dma_start3A_17] : memref<32x79x128xi32, #tpu.memory_space<hbm>> -> memref<1x79x128xi32, #tpu.memory_space<hbm>>
      %dma_start3A_19 = tpu.memref_squeeze %dma_start3A_18 : memref<1x79x128xi32, #tpu.memory_space<hbm>> -> memref<79x128xi32, #tpu.memory_space<hbm>>
      tpu.enqueue_dma source(%dma_start3A_19 : memref<79x128xi32, #tpu.memory_space<hbm>>) target(%arg9 : memref<79x128xi32, #tpu.memory_space<vmem>>) target_semaphore(%run_scoped3A : memref<!tpu.dma_semaphore, #tpu.memory_space<semaphore_mem>>)
      %dma_wait3A = arith.constant 0 : i32
      %dma_wait3A_20 = arith.constant 0 : i32
      %dma_wait3A_21 = tpu.memref_slice %arg4[%add3A, %dma_wait3A, %dma_wait3A_20] : memref<32x79x128xi32, #tpu.memory_space<hbm>> -> memref<1x79x128xi32, #tpu.memory_space<hbm>>
      %dma_wait3A_22 = tpu.memref_squeeze %dma_wait3A_21 : memref<1x79x128xi32, #tpu.memory_space<hbm>> -> memref<79x128xi32, #tpu.memory_space<hbm>>
      %dma_wait3A_23 = arith.constant 0 : i32
      %dma_wait3A_24 = arith.constant 0 : i32
      %dma_wait3A_25 = tpu.memref_slice %arg4[%add3A, %dma_wait3A_23, %dma_wait3A_24] : memref<32x79x128xi32, #tpu.memory_space<hbm>> -> memref<1x79x128xi32, #tpu.memory_space<hbm>>
      %dma_wait3A_26 = tpu.memref_squeeze %dma_wait3A_25 : memref<1x79x128xi32, #tpu.memory_space<hbm>> -> memref<79x128xi32, #tpu.memory_space<hbm>>
      tpu.wait_dma2 semaphore(%run_scoped3A : memref<!tpu.dma_semaphore, #tpu.memory_space<semaphore_mem>>) src(%dma_wait3A_26 : memref<79x128xi32, #tpu.memory_space<hbm>>) dst(%arg9 : memref<79x128xi32, #tpu.memory_space<vmem>>)
      tpu.yield
    }) : () -> ()
    %barrier3A = arith.constant 0 : index
    tpu.barrier barrier_id(%barrier3A)
    %scan3A = arith.constant 0 : i32
    %scan3A_3 = arith.constant 0 : i32
    %scan3A_4 = arith.constant 79 : i32
    %scan3A_5 = arith.addi %scan3A_3, %scan3A_4 : i32
    %scan3A_6 = arith.constant 1 : i32
    scf.for %scan3A_13 = %scan3A_3 to %scan3A_5 step %scan3A_6  : i32 {
      %dma_start3A = arith.constant 0 : i32
      %dma_start3A_14 = tpu.memref_slice %arg8[%scan3A_13, %dma_start3A] : memref<79x128xi32, #tpu.memory_space<vmem>> -> memref<1x128xi32, #tpu.memory_space<vmem>>
      %dma_start3A_15 = tpu.memref_squeeze %dma_start3A_14 : memref<1x128xi32, #tpu.memory_space<vmem>> -> memref<128xi32, #tpu.memory_space<vmem>>
      %dma_start3A_16 = arith.constant 0 : i32
      %dma_start3A_17 = arith.constant 0 : i32
      %dma_start3A_18 = tpu.memref_slice %arg2[%dma_start3A_16, %dma_start3A_17] : memref<10240x128xf32, #tpu.memory_space<hbm>> -> memref<10240x128xf32, #tpu.memory_space<hbm>>
      tpu.enqueue_indirect_dma source(%dma_start3A_18 : memref<10240x128xf32, #tpu.memory_space<hbm>>) target(%arg10 : memref<128x128xf32, #tpu.memory_space<vmem>>) offsets(%dma_start3A_15 : memref<128xi32, #tpu.memory_space<vmem>>) semaphore(%arg11 : memref<!tpu.dma_semaphore, #tpu.memory_space<semaphore_mem>>)
      %dma_wait3A = arith.constant 0 : i32
      %dma_wait3A_19 = tpu.memref_slice %arg8[%scan3A_13, %dma_wait3A] : memref<79x128xi32, #tpu.memory_space<vmem>> -> memref<1x128xi32, #tpu.memory_space<vmem>>
      %dma_wait3A_20 = tpu.memref_squeeze %dma_wait3A_19 : memref<1x128xi32, #tpu.memory_space<vmem>> -> memref<128xi32, #tpu.memory_space<vmem>>
      %dma_wait3A_21 = arith.constant 0 : i32
      %dma_wait3A_22 = arith.constant 0 : i32
      %dma_wait3A_23 = tpu.memref_slice %arg2[%dma_wait3A_21, %dma_wait3A_22] : memref<10240x128xf32, #tpu.memory_space<hbm>> -> memref<10240x128xf32, #tpu.memory_space<hbm>>
      tpu.wait_indirect_dma semaphore(%arg11 : memref<!tpu.dma_semaphore, #tpu.memory_space<semaphore_mem>>) src(%dma_wait3A_23 : memref<10240x128xf32, #tpu.memory_space<hbm>>) dst(%arg10 : memref<128x128xf32, #tpu.memory_space<vmem>>)
      "tpu.region"() ({
        %run_scoped3A = tpu.sem_alloc : memref<!tpu.dma_semaphore, #tpu.memory_space<semaphore_mem>>
        %dma_start3A_24 = arith.constant 0 : i32
        %dma_start3A_25 = tpu.memref_slice %arg9[%scan3A_13, %dma_start3A_24] : memref<79x128xi32, #tpu.memory_space<vmem>> -> memref<1x128xi32, #tpu.memory_space<vmem>>
        %dma_start3A_26 = tpu.memref_squeeze %dma_start3A_25 : memref<1x128xi32, #tpu.memory_space<vmem>> -> memref<128xi32, #tpu.memory_space<vmem>>
        %dma_start3A_27 = arith.constant 0 : i32
        %dma_start3A_28 = arith.constant 0 : i32
        %dma_start3A_29 = tpu.memref_slice %arg7[%dma_start3A_27, %dma_start3A_28] : memref<10240x128xf32, #tpu.memory_space<vmem_shared>> -> memref<10240x128xf32, #tpu.memory_space<vmem_shared>>
        tpu.enqueue_indirect_dma source(%arg10 : memref<128x128xf32, #tpu.memory_space<vmem>>) target(%dma_start3A_29 : memref<10240x128xf32, #tpu.memory_space<vmem_shared>>) offsets(%dma_start3A_26 : memref<128xi32, #tpu.memory_space<vmem>>) semaphore(%run_scoped3A : memref<!tpu.dma_semaphore, #tpu.memory_space<semaphore_mem>>) {add = true}
        %dma_wait3A_30 = arith.constant 0 : i32
        %dma_wait3A_31 = tpu.memref_slice %arg9[%scan3A_13, %dma_wait3A_30] : memref<79x128xi32, #tpu.memory_space<vmem>> -> memref<1x128xi32, #tpu.memory_space<vmem>>
        %dma_wait3A_32 = tpu.memref_squeeze %dma_wait3A_31 : memref<1x128xi32, #tpu.memory_space<vmem>> -> memref<128xi32, #tpu.memory_space<vmem>>
        %dma_wait3A_33 = arith.constant 0 : i32
        %dma_wait3A_34 = arith.constant 0 : i32
        %dma_wait3A_35 = tpu.memref_slice %arg7[%dma_wait3A_33, %dma_wait3A_34] : memref<10240x128xf32, #tpu.memory_space<vmem_shared>> -> memref<10240x128xf32, #tpu.memory_space<vmem_shared>>
        tpu.wait_indirect_dma semaphore(%run_scoped3A : memref<!tpu.dma_semaphore, #tpu.memory_space<semaphore_mem>>) src(%arg10 : memref<128x128xf32, #tpu.memory_space<vmem>>) dst(%dma_wait3A_35 : memref<10240x128xf32, #tpu.memory_space<vmem_shared>>)
        tpu.yield
      }) : () -> ()
    }
    %scan3A_7 = arith.constant 79 : i32
    %barrier3A_8 = arith.constant 0 : index
    tpu.barrier barrier_id(%barrier3A_8)
    %mul3A_9 = arith.constant 640 : i32
    %mul3A_10 = arith.muli %arg1, %mul3A_9 : i32
    %mul3A_11 = arith.constant 640 : i32
    %mul3A_12 = arith.muli %arg1, %mul3A_11 : i32
    "tpu.region"() ({
      %run_scoped3A = tpu.sem_alloc : memref<!tpu.dma_semaphore, #tpu.memory_space<semaphore_mem>>
      %dma_start3A = arith.constant 0 : i32
      %dma_start3A_13 = tpu.memref_slice %arg6[%arg0, %mul3A_12, %dma_start3A] : memref<2x10240x128xf32, #tpu.memory_space<hbm>> -> memref<1x640x128xf32, #tpu.memory_space<hbm>>
      %dma_start3A_14 = tpu.memref_squeeze %dma_start3A_13 : memref<1x640x128xf32, #tpu.memory_space<hbm>> -> memref<640x128xf32, #tpu.memory_space<hbm>>
      %dma_start3A_15 = arith.constant 0 : i32
      %dma_start3A_16 = tpu.memref_slice %arg7[%mul3A_10, %dma_start3A_15] : memref<10240x128xf32, #tpu.memory_space<vmem_shared>> -> memref<640x128xf32, #tpu.memory_space<vmem_shared>>
      tpu.enqueue_dma source(%dma_start3A_16 : memref<640x128xf32, #tpu.memory_space<vmem_shared>>) target(%dma_start3A_14 : memref<640x128xf32, #tpu.memory_space<hbm>>) target_semaphore(%run_scoped3A : memref<!tpu.dma_semaphore, #tpu.memory_space<semaphore_mem>>)
      %dma_wait3A = arith.constant 0 : i32
      %dma_wait3A_17 = tpu.memref_slice %arg6[%arg0, %mul3A_12, %dma_wait3A] : memref<2x10240x128xf32, #tpu.memory_space<hbm>> -> memref<1x640x128xf32, #tpu.memory_space<hbm>>
      %dma_wait3A_18 = tpu.memref_squeeze %dma_wait3A_17 : memref<1x640x128xf32, #tpu.memory_space<hbm>> -> memref<640x128xf32, #tpu.memory_space<hbm>>
      %dma_wait3A_19 = arith.constant 0 : i32
      %dma_wait3A_20 = tpu.memref_slice %arg7[%mul3A_10, %dma_wait3A_19] : memref<10240x128xf32, #tpu.memory_space<vmem_shared>> -> memref<640x128xf32, #tpu.memory_space<vmem_shared>>
      tpu.wait_dma2 semaphore(%run_scoped3A : memref<!tpu.dma_semaphore, #tpu.memory_space<semaphore_mem>>) src(%dma_wait3A_20 : memref<640x128xf32, #tpu.memory_space<vmem_shared>>) dst(%dma_wait3A_18 : memref<640x128xf32, #tpu.memory_space<hbm>>)
      tpu.yield
    }) : () -> ()
    return
  }
}

#map = affine_map<(d0, d1) -> (0, 0)>
#map1 = affine_map<(d0, d1) -> (0, 0, 0)>
module attributes {stable_mosaic.version = 14 : i64} {
  func.func @_sc_segment_sum_body(%arg0: i32, %arg1: i32, %arg2: memref<10240x128xf32, #tpu.memory_space<hbm>>, %arg3: memref<32x79x128xi32, #tpu.memory_space<hbm>>, %arg4: memref<32x79x128xi32, #tpu.memory_space<hbm>>, %arg5: memref<640x128xf32, #tpu.memory_space<hbm>>, %arg6: memref<2x10240x128xf32, #tpu.memory_space<hbm>>, %arg7: memref<10240x128xf32, #tpu.memory_space<vmem_shared>>, %arg8: memref<79x128xi32, #tpu.memory_space<vmem>>, %arg9: memref<79x128xi32, #tpu.memory_space<vmem>>, %arg10: memref<128x128xf32, #tpu.memory_space<vmem>>, %arg11: memref<!tpu.dma_semaphore, #tpu.memory_space<semaphore_mem>>) attributes {dimension_semantics = [#tpu.dimension_semantics<core_parallel>, #tpu.dimension_semantics<subcore_parallel>], iteration_bounds = array<i64: 2, 16>, scalar_prefetch = 0 : i64, scratch_operands = 5 : i64, tpu.core_type = #tpu.core_type<sc_vector_subcore>, window_params = [{transform_indices = #map}, {transform_indices = #map1}, {transform_indices = #map1}, {transform_indices = #map}, {transform_indices = #map1}]} {
    %mul3A = arith.constant 16 : i32
    %mul3A_0 = arith.muli %arg0, %mul3A : i32
    %add3A = arith.addi %mul3A_0, %arg1 : i32
    %mul3A_1 = arith.constant 640 : i32
    %mul3A_2 = arith.muli %arg1, %mul3A_1 : i32
    "tpu.region"() ({
      %run_scoped3A = tpu.sem_alloc : memref<!tpu.dma_semaphore, #tpu.memory_space<semaphore_mem>>
      %dma_start3A = arith.constant 0 : i32
      %dma_start3A_13 = tpu.memref_slice %arg7[%mul3A_2, %dma_start3A] : memref<10240x128xf32, #tpu.memory_space<vmem_shared>> -> memref<640x128xf32, #tpu.memory_space<vmem_shared>>
      tpu.enqueue_dma source(%arg5 : memref<640x128xf32, #tpu.memory_space<hbm>>) target(%dma_start3A_13 : memref<640x128xf32, #tpu.memory_space<vmem_shared>>) target_semaphore(%run_scoped3A : memref<!tpu.dma_semaphore, #tpu.memory_space<semaphore_mem>>)
      %dma_wait3A = arith.constant 0 : i32
      %dma_wait3A_14 = tpu.memref_slice %arg7[%mul3A_2, %dma_wait3A] : memref<10240x128xf32, #tpu.memory_space<vmem_shared>> -> memref<640x128xf32, #tpu.memory_space<vmem_shared>>
      tpu.wait_dma2 semaphore(%run_scoped3A : memref<!tpu.dma_semaphore, #tpu.memory_space<semaphore_mem>>) src(%arg5 : memref<640x128xf32, #tpu.memory_space<hbm>>) dst(%dma_wait3A_14 : memref<640x128xf32, #tpu.memory_space<vmem_shared>>)
      tpu.yield
    }) : () -> ()
    "tpu.region"() ({
      %run_scoped3A = tpu.sem_alloc : memref<!tpu.dma_semaphore, #tpu.memory_space<semaphore_mem>>
      %dma_start3A = arith.constant 0 : i32
      %dma_start3A_13 = arith.constant 0 : i32
      %dma_start3A_14 = tpu.memref_slice %arg3[%add3A, %dma_start3A, %dma_start3A_13] : memref<32x79x128xi32, #tpu.memory_space<hbm>> -> memref<1x79x128xi32, #tpu.memory_space<hbm>>
      %dma_start3A_15 = tpu.memref_squeeze %dma_start3A_14 : memref<1x79x128xi32, #tpu.memory_space<hbm>> -> memref<79x128xi32, #tpu.memory_space<hbm>>
      %dma_start3A_16 = arith.constant 0 : i32
      %dma_start3A_17 = arith.constant 0 : i32
      %dma_start3A_18 = tpu.memref_slice %arg3[%add3A, %dma_start3A_16, %dma_start3A_17] : memref<32x79x128xi32, #tpu.memory_space<hbm>> -> memref<1x79x128xi32, #tpu.memory_space<hbm>>
      %dma_start3A_19 = tpu.memref_squeeze %dma_start3A_18 : memref<1x79x128xi32, #tpu.memory_space<hbm>> -> memref<79x128xi32, #tpu.memory_space<hbm>>
      tpu.enqueue_dma source(%dma_start3A_19 : memref<79x128xi32, #tpu.memory_space<hbm>>) target(%arg8 : memref<79x128xi32, #tpu.memory_space<vmem>>) target_semaphore(%run_scoped3A : memref<!tpu.dma_semaphore, #tpu.memory_space<semaphore_mem>>)
      %dma_wait3A = arith.constant 0 : i32
      %dma_wait3A_20 = arith.constant 0 : i32
      %dma_wait3A_21 = tpu.memref_slice %arg3[%add3A, %dma_wait3A, %dma_wait3A_20] : memref<32x79x128xi32, #tpu.memory_space<hbm>> -> memref<1x79x128xi32, #tpu.memory_space<hbm>>
      %dma_wait3A_22 = tpu.memref_squeeze %dma_wait3A_21 : memref<1x79x128xi32, #tpu.memory_space<hbm>> -> memref<79x128xi32, #tpu.memory_space<hbm>>
      %dma_wait3A_23 = arith.constant 0 : i32
      %dma_wait3A_24 = arith.constant 0 : i32
      %dma_wait3A_25 = tpu.memref_slice %arg3[%add3A, %dma_wait3A_23, %dma_wait3A_24] : memref<32x79x128xi32, #tpu.memory_space<hbm>> -> memref<1x79x128xi32, #tpu.memory_space<hbm>>
      %dma_wait3A_26 = tpu.memref_squeeze %dma_wait3A_25 : memref<1x79x128xi32, #tpu.memory_space<hbm>> -> memref<79x128xi32, #tpu.memory_space<hbm>>
      tpu.wait_dma2 semaphore(%run_scoped3A : memref<!tpu.dma_semaphore, #tpu.memory_space<semaphore_mem>>) src(%dma_wait3A_26 : memref<79x128xi32, #tpu.memory_space<hbm>>) dst(%arg8 : memref<79x128xi32, #tpu.memory_space<vmem>>)
      tpu.yield
    }) : () -> ()
    "tpu.region"() ({
      %run_scoped3A = tpu.sem_alloc : memref<!tpu.dma_semaphore, #tpu.memory_space<semaphore_mem>>
      %dma_start3A = arith.constant 0 : i32
      %dma_start3A_13 = arith.constant 0 : i32
      %dma_start3A_14 = tpu.memref_slice %arg4[%add3A, %dma_start3A, %dma_start3A_13] : memref<32x79x128xi32, #tpu.memory_space<hbm>> -> memref<1x79x128xi32, #tpu.memory_space<hbm>>
      %dma_start3A_15 = tpu.memref_squeeze %dma_start3A_14 : memref<1x79x128xi32, #tpu.memory_space<hbm>> -> memref<79x128xi32, #tpu.memory_space<hbm>>
      %dma_start3A_16 = arith.constant 0 : i32
      %dma_start3A_17 = arith.constant 0 : i32
      %dma_start3A_18 = tpu.memref_slice %arg4[%add3A, %dma_start3A_16, %dma_start3A_17] : memref<32x79x128xi32, #tpu.memory_space<hbm>> -> memref<1x79x128xi32, #tpu.memory_space<hbm>>
      %dma_start3A_19 = tpu.memref_squeeze %dma_start3A_18 : memref<1x79x128xi32, #tpu.memory_space<hbm>> -> memref<79x128xi32, #tpu.memory_space<hbm>>
      tpu.enqueue_dma source(%dma_start3A_19 : memref<79x128xi32, #tpu.memory_space<hbm>>) target(%arg9 : memref<79x128xi32, #tpu.memory_space<vmem>>) target_semaphore(%run_scoped3A : memref<!tpu.dma_semaphore, #tpu.memory_space<semaphore_mem>>)
      %dma_wait3A = arith.constant 0 : i32
      %dma_wait3A_20 = arith.constant 0 : i32
      %dma_wait3A_21 = tpu.memref_slice %arg4[%add3A, %dma_wait3A, %dma_wait3A_20] : memref<32x79x128xi32, #tpu.memory_space<hbm>> -> memref<1x79x128xi32, #tpu.memory_space<hbm>>
      %dma_wait3A_22 = tpu.memref_squeeze %dma_wait3A_21 : memref<1x79x128xi32, #tpu.memory_space<hbm>> -> memref<79x128xi32, #tpu.memory_space<hbm>>
      %dma_wait3A_23 = arith.constant 0 : i32
      %dma_wait3A_24 = arith.constant 0 : i32
      %dma_wait3A_25 = tpu.memref_slice %arg4[%add3A, %dma_wait3A_23, %dma_wait3A_24] : memref<32x79x128xi32, #tpu.memory_space<hbm>> -> memref<1x79x128xi32, #tpu.memory_space<hbm>>
      %dma_wait3A_26 = tpu.memref_squeeze %dma_wait3A_25 : memref<1x79x128xi32, #tpu.memory_space<hbm>> -> memref<79x128xi32, #tpu.memory_space<hbm>>
      tpu.wait_dma2 semaphore(%run_scoped3A : memref<!tpu.dma_semaphore, #tpu.memory_space<semaphore_mem>>) src(%dma_wait3A_26 : memref<79x128xi32, #tpu.memory_space<hbm>>) dst(%arg9 : memref<79x128xi32, #tpu.memory_space<vmem>>)
      tpu.yield
    }) : () -> ()
    %barrier3A = arith.constant 0 : index
    tpu.barrier barrier_id(%barrier3A)
    %scan3A = arith.constant 0 : i32
    %scan3A_3 = arith.constant 0 : i32
    %scan3A_4 = arith.constant 79 : i32
    %scan3A_5 = arith.addi %scan3A_3, %scan3A_4 : i32
    %scan3A_6 = arith.constant 1 : i32
    scf.for %scan3A_13 = %scan3A_3 to %scan3A_5 step %scan3A_6  : i32 {
      %dma_start3A = arith.constant 0 : i32
      %dma_start3A_14 = tpu.memref_slice %arg8[%scan3A_13, %dma_start3A] : memref<79x128xi32, #tpu.memory_space<vmem>> -> memref<1x128xi32, #tpu.memory_space<vmem>>
      %dma_start3A_15 = tpu.memref_squeeze %dma_start3A_14 : memref<1x128xi32, #tpu.memory_space<vmem>> -> memref<128xi32, #tpu.memory_space<vmem>>
      %dma_start3A_16 = arith.constant 0 : i32
      %dma_start3A_17 = arith.constant 0 : i32
      %dma_start3A_18 = tpu.memref_slice %arg2[%dma_start3A_16, %dma_start3A_17] : memref<10240x128xf32, #tpu.memory_space<hbm>> -> memref<10240x128xf32, #tpu.memory_space<hbm>>
      tpu.enqueue_indirect_dma source(%dma_start3A_18 : memref<10240x128xf32, #tpu.memory_space<hbm>>) target(%arg10 : memref<128x128xf32, #tpu.memory_space<vmem>>) offsets(%dma_start3A_15 : memref<128xi32, #tpu.memory_space<vmem>>) semaphore(%arg11 : memref<!tpu.dma_semaphore, #tpu.memory_space<semaphore_mem>>)
      %dma_wait3A = arith.constant 0 : i32
      %dma_wait3A_19 = tpu.memref_slice %arg8[%scan3A_13, %dma_wait3A] : memref<79x128xi32, #tpu.memory_space<vmem>> -> memref<1x128xi32, #tpu.memory_space<vmem>>
      %dma_wait3A_20 = tpu.memref_squeeze %dma_wait3A_19 : memref<1x128xi32, #tpu.memory_space<vmem>> -> memref<128xi32, #tpu.memory_space<vmem>>
      %dma_wait3A_21 = arith.constant 0 : i32
      %dma_wait3A_22 = arith.constant 0 : i32
      %dma_wait3A_23 = tpu.memref_slice %arg2[%dma_wait3A_21, %dma_wait3A_22] : memref<10240x128xf32, #tpu.memory_space<hbm>> -> memref<10240x128xf32, #tpu.memory_space<hbm>>
      tpu.wait_indirect_dma semaphore(%arg11 : memref<!tpu.dma_semaphore, #tpu.memory_space<semaphore_mem>>) src(%dma_wait3A_23 : memref<10240x128xf32, #tpu.memory_space<hbm>>) dst(%arg10 : memref<128x128xf32, #tpu.memory_space<vmem>>)
      "tpu.region"() ({
        %run_scoped3A = tpu.sem_alloc : memref<!tpu.dma_semaphore, #tpu.memory_space<semaphore_mem>>
        %dma_start3A_24 = arith.constant 0 : i32
        %dma_start3A_25 = tpu.memref_slice %arg9[%scan3A_13, %dma_start3A_24] : memref<79x128xi32, #tpu.memory_space<vmem>> -> memref<1x128xi32, #tpu.memory_space<vmem>>
        %dma_start3A_26 = tpu.memref_squeeze %dma_start3A_25 : memref<1x128xi32, #tpu.memory_space<vmem>> -> memref<128xi32, #tpu.memory_space<vmem>>
        %dma_start3A_27 = arith.constant 0 : i32
        %dma_start3A_28 = arith.constant 0 : i32
        %dma_start3A_29 = tpu.memref_slice %arg7[%dma_start3A_27, %dma_start3A_28] : memref<10240x128xf32, #tpu.memory_space<vmem_shared>> -> memref<10240x128xf32, #tpu.memory_space<vmem_shared>>
        tpu.enqueue_indirect_dma source(%arg10 : memref<128x128xf32, #tpu.memory_space<vmem>>) target(%dma_start3A_29 : memref<10240x128xf32, #tpu.memory_space<vmem_shared>>) offsets(%dma_start3A_26 : memref<128xi32, #tpu.memory_space<vmem>>) semaphore(%run_scoped3A : memref<!tpu.dma_semaphore, #tpu.memory_space<semaphore_mem>>) {add = true}
        %dma_wait3A_30 = arith.constant 0 : i32
        %dma_wait3A_31 = tpu.memref_slice %arg9[%scan3A_13, %dma_wait3A_30] : memref<79x128xi32, #tpu.memory_space<vmem>> -> memref<1x128xi32, #tpu.memory_space<vmem>>
        %dma_wait3A_32 = tpu.memref_squeeze %dma_wait3A_31 : memref<1x128xi32, #tpu.memory_space<vmem>> -> memref<128xi32, #tpu.memory_space<vmem>>
        %dma_wait3A_33 = arith.constant 0 : i32
        %dma_wait3A_34 = arith.constant 0 : i32
        %dma_wait3A_35 = tpu.memref_slice %arg7[%dma_wait3A_33, %dma_wait3A_34] : memref<10240x128xf32, #tpu.memory_space<vmem_shared>> -> memref<10240x128xf32, #tpu.memory_space<vmem_shared>>
        tpu.wait_indirect_dma semaphore(%run_scoped3A : memref<!tpu.dma_semaphore, #tpu.memory_space<semaphore_mem>>) src(%arg10 : memref<128x128xf32, #tpu.memory_space<vmem>>) dst(%dma_wait3A_35 : memref<10240x128xf32, #tpu.memory_space<vmem_shared>>)
        tpu.yield
      }) : () -> ()
    }
    %scan3A_7 = arith.constant 79 : i32
    %barrier3A_8 = arith.constant 0 : index
    tpu.barrier barrier_id(%barrier3A_8)
    %mul3A_9 = arith.constant 640 : i32
    %mul3A_10 = arith.muli %arg1, %mul3A_9 : i32
    %mul3A_11 = arith.constant 640 : i32
    %mul3A_12 = arith.muli %arg1, %mul3A_11 : i32
    "tpu.region"() ({
      %run_scoped3A = tpu.sem_alloc : memref<!tpu.dma_semaphore, #tpu.memory_space<semaphore_mem>>
      %dma_start3A = arith.constant 0 : i32
      %dma_start3A_13 = tpu.memref_slice %arg6[%arg0, %mul3A_12, %dma_start3A] : memref<2x10240x128xf32, #tpu.memory_space<hbm>> -> memref<1x640x128xf32, #tpu.memory_space<hbm>>
      %dma_start3A_14 = tpu.memref_squeeze %dma_start3A_13 : memref<1x640x128xf32, #tpu.memory_space<hbm>> -> memref<640x128xf32, #tpu.memory_space<hbm>>
      %dma_start3A_15 = arith.constant 0 : i32
      %dma_start3A_16 = tpu.memref_slice %arg7[%mul3A_10, %dma_start3A_15] : memref<10240x128xf32, #tpu.memory_space<vmem_shared>> -> memref<640x128xf32, #tpu.memory_space<vmem_shared>>
      tpu.enqueue_dma source(%dma_start3A_16 : memref<640x128xf32, #tpu.memory_space<vmem_shared>>) target(%dma_start3A_14 : memref<640x128xf32, #tpu.memory_space<hbm>>) target_semaphore(%run_scoped3A : memref<!tpu.dma_semaphore, #tpu.memory_space<semaphore_mem>>)
      %dma_wait3A = arith.constant 0 : i32
      %dma_wait3A_17 = tpu.memref_slice %arg6[%arg0, %mul3A_12, %dma_wait3A] : memref<2x10240x128xf32, #tpu.memory_space<hbm>> -> memref<1x640x128xf32, #tpu.memory_space<hbm>>
      %dma_wait3A_18 = tpu.memref_squeeze %dma_wait3A_17 : memref<1x640x128xf32, #tpu.memory_space<hbm>> -> memref<640x128xf32, #tpu.memory_space<hbm>>
      %dma_wait3A_19 = arith.constant 0 : i32
      %dma_wait3A_20 = tpu.memref_slice %arg7[%mul3A_10, %dma_wait3A_19] : memref<10240x128xf32, #tpu.memory_space<vmem_shared>> -> memref<640x128xf32, #tpu.memory_space<vmem_shared>>
      tpu.wait_dma2 semaphore(%run_scoped3A : memref<!tpu.dma_semaphore, #tpu.memory_space<semaphore_mem>>) src(%dma_wait3A_20 : memref<640x128xf32, #tpu.memory_space<vmem_shared>>) dst(%dma_wait3A_18 : memref<640x128xf32, #tpu.memory_space<hbm>>)
      tpu.yield
    }) : () -> ()
    return
  }
}

#map = affine_map<(d0, d1) -> (0, 0)>
#map1 = affine_map<(d0, d1) -> (0, 0, 0)>
module attributes {stable_mosaic.version = 14 : i64} {
  func.func @_sc_segment_sum_body(%arg0: i32, %arg1: i32, %arg2: memref<10240x128xf32, #tpu.memory_space<hbm>>, %arg3: memref<32x79x128xi32, #tpu.memory_space<hbm>>, %arg4: memref<32x79x128xi32, #tpu.memory_space<hbm>>, %arg5: memref<640x128xf32, #tpu.memory_space<hbm>>, %arg6: memref<2x10240x128xf32, #tpu.memory_space<hbm>>, %arg7: memref<10240x128xf32, #tpu.memory_space<vmem_shared>>, %arg8: memref<79x128xi32, #tpu.memory_space<vmem>>, %arg9: memref<79x128xi32, #tpu.memory_space<vmem>>, %arg10: memref<128x128xf32, #tpu.memory_space<vmem>>, %arg11: memref<!tpu.dma_semaphore, #tpu.memory_space<semaphore_mem>>) attributes {dimension_semantics = [#tpu.dimension_semantics<core_parallel>, #tpu.dimension_semantics<subcore_parallel>], iteration_bounds = array<i64: 2, 16>, scalar_prefetch = 0 : i64, scratch_operands = 5 : i64, tpu.core_type = #tpu.core_type<sc_vector_subcore>, window_params = [{transform_indices = #map}, {transform_indices = #map1}, {transform_indices = #map1}, {transform_indices = #map}, {transform_indices = #map1}]} {
    %mul3A = arith.constant 16 : i32
    %mul3A_0 = arith.muli %arg0, %mul3A : i32
    %add3A = arith.addi %mul3A_0, %arg1 : i32
    %mul3A_1 = arith.constant 640 : i32
    %mul3A_2 = arith.muli %arg1, %mul3A_1 : i32
    "tpu.region"() ({
      %run_scoped3A = tpu.sem_alloc : memref<!tpu.dma_semaphore, #tpu.memory_space<semaphore_mem>>
      %dma_start3A = arith.constant 0 : i32
      %dma_start3A_13 = tpu.memref_slice %arg7[%mul3A_2, %dma_start3A] : memref<10240x128xf32, #tpu.memory_space<vmem_shared>> -> memref<640x128xf32, #tpu.memory_space<vmem_shared>>
      tpu.enqueue_dma source(%arg5 : memref<640x128xf32, #tpu.memory_space<hbm>>) target(%dma_start3A_13 : memref<640x128xf32, #tpu.memory_space<vmem_shared>>) target_semaphore(%run_scoped3A : memref<!tpu.dma_semaphore, #tpu.memory_space<semaphore_mem>>)
      %dma_wait3A = arith.constant 0 : i32
      %dma_wait3A_14 = tpu.memref_slice %arg7[%mul3A_2, %dma_wait3A] : memref<10240x128xf32, #tpu.memory_space<vmem_shared>> -> memref<640x128xf32, #tpu.memory_space<vmem_shared>>
      tpu.wait_dma2 semaphore(%run_scoped3A : memref<!tpu.dma_semaphore, #tpu.memory_space<semaphore_mem>>) src(%arg5 : memref<640x128xf32, #tpu.memory_space<hbm>>) dst(%dma_wait3A_14 : memref<640x128xf32, #tpu.memory_space<vmem_shared>>)
      tpu.yield
    }) : () -> ()
    "tpu.region"() ({
      %run_scoped3A = tpu.sem_alloc : memref<!tpu.dma_semaphore, #tpu.memory_space<semaphore_mem>>
      %dma_start3A = arith.constant 0 : i32
      %dma_start3A_13 = arith.constant 0 : i32
      %dma_start3A_14 = tpu.memref_slice %arg3[%add3A, %dma_start3A, %dma_start3A_13] : memref<32x79x128xi32, #tpu.memory_space<hbm>> -> memref<1x79x128xi32, #tpu.memory_space<hbm>>
      %dma_start3A_15 = tpu.memref_squeeze %dma_start3A_14 : memref<1x79x128xi32, #tpu.memory_space<hbm>> -> memref<79x128xi32, #tpu.memory_space<hbm>>
      %dma_start3A_16 = arith.constant 0 : i32
      %dma_start3A_17 = arith.constant 0 : i32
      %dma_start3A_18 = tpu.memref_slice %arg3[%add3A, %dma_start3A_16, %dma_start3A_17] : memref<32x79x128xi32, #tpu.memory_space<hbm>> -> memref<1x79x128xi32, #tpu.memory_space<hbm>>
      %dma_start3A_19 = tpu.memref_squeeze %dma_start3A_18 : memref<1x79x128xi32, #tpu.memory_space<hbm>> -> memref<79x128xi32, #tpu.memory_space<hbm>>
      tpu.enqueue_dma source(%dma_start3A_19 : memref<79x128xi32, #tpu.memory_space<hbm>>) target(%arg8 : memref<79x128xi32, #tpu.memory_space<vmem>>) target_semaphore(%run_scoped3A : memref<!tpu.dma_semaphore, #tpu.memory_space<semaphore_mem>>)
      %dma_wait3A = arith.constant 0 : i32
      %dma_wait3A_20 = arith.constant 0 : i32
      %dma_wait3A_21 = tpu.memref_slice %arg3[%add3A, %dma_wait3A, %dma_wait3A_20] : memref<32x79x128xi32, #tpu.memory_space<hbm>> -> memref<1x79x128xi32, #tpu.memory_space<hbm>>
      %dma_wait3A_22 = tpu.memref_squeeze %dma_wait3A_21 : memref<1x79x128xi32, #tpu.memory_space<hbm>> -> memref<79x128xi32, #tpu.memory_space<hbm>>
      %dma_wait3A_23 = arith.constant 0 : i32
      %dma_wait3A_24 = arith.constant 0 : i32
      %dma_wait3A_25 = tpu.memref_slice %arg3[%add3A, %dma_wait3A_23, %dma_wait3A_24] : memref<32x79x128xi32, #tpu.memory_space<hbm>> -> memref<1x79x128xi32, #tpu.memory_space<hbm>>
      %dma_wait3A_26 = tpu.memref_squeeze %dma_wait3A_25 : memref<1x79x128xi32, #tpu.memory_space<hbm>> -> memref<79x128xi32, #tpu.memory_space<hbm>>
      tpu.wait_dma2 semaphore(%run_scoped3A : memref<!tpu.dma_semaphore, #tpu.memory_space<semaphore_mem>>) src(%dma_wait3A_26 : memref<79x128xi32, #tpu.memory_space<hbm>>) dst(%arg8 : memref<79x128xi32, #tpu.memory_space<vmem>>)
      tpu.yield
    }) : () -> ()
    "tpu.region"() ({
      %run_scoped3A = tpu.sem_alloc : memref<!tpu.dma_semaphore, #tpu.memory_space<semaphore_mem>>
      %dma_start3A = arith.constant 0 : i32
      %dma_start3A_13 = arith.constant 0 : i32
      %dma_start3A_14 = tpu.memref_slice %arg4[%add3A, %dma_start3A, %dma_start3A_13] : memref<32x79x128xi32, #tpu.memory_space<hbm>> -> memref<1x79x128xi32, #tpu.memory_space<hbm>>
      %dma_start3A_15 = tpu.memref_squeeze %dma_start3A_14 : memref<1x79x128xi32, #tpu.memory_space<hbm>> -> memref<79x128xi32, #tpu.memory_space<hbm>>
      %dma_start3A_16 = arith.constant 0 : i32
      %dma_start3A_17 = arith.constant 0 : i32
      %dma_start3A_18 = tpu.memref_slice %arg4[%add3A, %dma_start3A_16, %dma_start3A_17] : memref<32x79x128xi32, #tpu.memory_space<hbm>> -> memref<1x79x128xi32, #tpu.memory_space<hbm>>
      %dma_start3A_19 = tpu.memref_squeeze %dma_start3A_18 : memref<1x79x128xi32, #tpu.memory_space<hbm>> -> memref<79x128xi32, #tpu.memory_space<hbm>>
      tpu.enqueue_dma source(%dma_start3A_19 : memref<79x128xi32, #tpu.memory_space<hbm>>) target(%arg9 : memref<79x128xi32, #tpu.memory_space<vmem>>) target_semaphore(%run_scoped3A : memref<!tpu.dma_semaphore, #tpu.memory_space<semaphore_mem>>)
      %dma_wait3A = arith.constant 0 : i32
      %dma_wait3A_20 = arith.constant 0 : i32
      %dma_wait3A_21 = tpu.memref_slice %arg4[%add3A, %dma_wait3A, %dma_wait3A_20] : memref<32x79x128xi32, #tpu.memory_space<hbm>> -> memref<1x79x128xi32, #tpu.memory_space<hbm>>
      %dma_wait3A_22 = tpu.memref_squeeze %dma_wait3A_21 : memref<1x79x128xi32, #tpu.memory_space<hbm>> -> memref<79x128xi32, #tpu.memory_space<hbm>>
      %dma_wait3A_23 = arith.constant 0 : i32
      %dma_wait3A_24 = arith.constant 0 : i32
      %dma_wait3A_25 = tpu.memref_slice %arg4[%add3A, %dma_wait3A_23, %dma_wait3A_24] : memref<32x79x128xi32, #tpu.memory_space<hbm>> -> memref<1x79x128xi32, #tpu.memory_space<hbm>>
      %dma_wait3A_26 = tpu.memref_squeeze %dma_wait3A_25 : memref<1x79x128xi32, #tpu.memory_space<hbm>> -> memref<79x128xi32, #tpu.memory_space<hbm>>
      tpu.wait_dma2 semaphore(%run_scoped3A : memref<!tpu.dma_semaphore, #tpu.memory_space<semaphore_mem>>) src(%dma_wait3A_26 : memref<79x128xi32, #tpu.memory_space<hbm>>) dst(%arg9 : memref<79x128xi32, #tpu.memory_space<vmem>>)
      tpu.yield
    }) : () -> ()
    %barrier3A = arith.constant 0 : index
    tpu.barrier barrier_id(%barrier3A)
    %scan3A = arith.constant 0 : i32
    %scan3A_3 = arith.constant 0 : i32
    %scan3A_4 = arith.constant 79 : i32
    %scan3A_5 = arith.addi %scan3A_3, %scan3A_4 : i32
    %scan3A_6 = arith.constant 1 : i32
    scf.for %scan3A_13 = %scan3A_3 to %scan3A_5 step %scan3A_6  : i32 {
      %dma_start3A = arith.constant 0 : i32
      %dma_start3A_14 = tpu.memref_slice %arg8[%scan3A_13, %dma_start3A] : memref<79x128xi32, #tpu.memory_space<vmem>> -> memref<1x128xi32, #tpu.memory_space<vmem>>
      %dma_start3A_15 = tpu.memref_squeeze %dma_start3A_14 : memref<1x128xi32, #tpu.memory_space<vmem>> -> memref<128xi32, #tpu.memory_space<vmem>>
      %dma_start3A_16 = arith.constant 0 : i32
      %dma_start3A_17 = arith.constant 0 : i32
      %dma_start3A_18 = tpu.memref_slice %arg2[%dma_start3A_16, %dma_start3A_17] : memref<10240x128xf32, #tpu.memory_space<hbm>> -> memref<10240x128xf32, #tpu.memory_space<hbm>>
      tpu.enqueue_indirect_dma source(%dma_start3A_18 : memref<10240x128xf32, #tpu.memory_space<hbm>>) target(%arg10 : memref<128x128xf32, #tpu.memory_space<vmem>>) offsets(%dma_start3A_15 : memref<128xi32, #tpu.memory_space<vmem>>) semaphore(%arg11 : memref<!tpu.dma_semaphore, #tpu.memory_space<semaphore_mem>>)
      %dma_wait3A = arith.constant 0 : i32
      %dma_wait3A_19 = tpu.memref_slice %arg8[%scan3A_13, %dma_wait3A] : memref<79x128xi32, #tpu.memory_space<vmem>> -> memref<1x128xi32, #tpu.memory_space<vmem>>
      %dma_wait3A_20 = tpu.memref_squeeze %dma_wait3A_19 : memref<1x128xi32, #tpu.memory_space<vmem>> -> memref<128xi32, #tpu.memory_space<vmem>>
      %dma_wait3A_21 = arith.constant 0 : i32
      %dma_wait3A_22 = arith.constant 0 : i32
      %dma_wait3A_23 = tpu.memref_slice %arg2[%dma_wait3A_21, %dma_wait3A_22] : memref<10240x128xf32, #tpu.memory_space<hbm>> -> memref<10240x128xf32, #tpu.memory_space<hbm>>
      tpu.wait_indirect_dma semaphore(%arg11 : memref<!tpu.dma_semaphore, #tpu.memory_space<semaphore_mem>>) src(%dma_wait3A_23 : memref<10240x128xf32, #tpu.memory_space<hbm>>) dst(%arg10 : memref<128x128xf32, #tpu.memory_space<vmem>>)
      "tpu.region"() ({
        %run_scoped3A = tpu.sem_alloc : memref<!tpu.dma_semaphore, #tpu.memory_space<semaphore_mem>>
        %dma_start3A_24 = arith.constant 0 : i32
        %dma_start3A_25 = tpu.memref_slice %arg9[%scan3A_13, %dma_start3A_24] : memref<79x128xi32, #tpu.memory_space<vmem>> -> memref<1x128xi32, #tpu.memory_space<vmem>>
        %dma_start3A_26 = tpu.memref_squeeze %dma_start3A_25 : memref<1x128xi32, #tpu.memory_space<vmem>> -> memref<128xi32, #tpu.memory_space<vmem>>
        %dma_start3A_27 = arith.constant 0 : i32
        %dma_start3A_28 = arith.constant 0 : i32
        %dma_start3A_29 = tpu.memref_slice %arg7[%dma_start3A_27, %dma_start3A_28] : memref<10240x128xf32, #tpu.memory_space<vmem_shared>> -> memref<10240x128xf32, #tpu.memory_space<vmem_shared>>
        tpu.enqueue_indirect_dma source(%arg10 : memref<128x128xf32, #tpu.memory_space<vmem>>) target(%dma_start3A_29 : memref<10240x128xf32, #tpu.memory_space<vmem_shared>>) offsets(%dma_start3A_26 : memref<128xi32, #tpu.memory_space<vmem>>) semaphore(%run_scoped3A : memref<!tpu.dma_semaphore, #tpu.memory_space<semaphore_mem>>) {add = true}
        %dma_wait3A_30 = arith.constant 0 : i32
        %dma_wait3A_31 = tpu.memref_slice %arg9[%scan3A_13, %dma_wait3A_30] : memref<79x128xi32, #tpu.memory_space<vmem>> -> memref<1x128xi32, #tpu.memory_space<vmem>>
        %dma_wait3A_32 = tpu.memref_squeeze %dma_wait3A_31 : memref<1x128xi32, #tpu.memory_space<vmem>> -> memref<128xi32, #tpu.memory_space<vmem>>
        %dma_wait3A_33 = arith.constant 0 : i32
        %dma_wait3A_34 = arith.constant 0 : i32
        %dma_wait3A_35 = tpu.memref_slice %arg7[%dma_wait3A_33, %dma_wait3A_34] : memref<10240x128xf32, #tpu.memory_space<vmem_shared>> -> memref<10240x128xf32, #tpu.memory_space<vmem_shared>>
        tpu.wait_indirect_dma semaphore(%run_scoped3A : memref<!tpu.dma_semaphore, #tpu.memory_space<semaphore_mem>>) src(%arg10 : memref<128x128xf32, #tpu.memory_space<vmem>>) dst(%dma_wait3A_35 : memref<10240x128xf32, #tpu.memory_space<vmem_shared>>)
        tpu.yield
      }) : () -> ()
    }
    %scan3A_7 = arith.constant 79 : i32
    %barrier3A_8 = arith.constant 0 : index
    tpu.barrier barrier_id(%barrier3A_8)
    %mul3A_9 = arith.constant 640 : i32
    %mul3A_10 = arith.muli %arg1, %mul3A_9 : i32
    %mul3A_11 = arith.constant 640 : i32
    %mul3A_12 = arith.muli %arg1, %mul3A_11 : i32
    "tpu.region"() ({
      %run_scoped3A = tpu.sem_alloc : memref<!tpu.dma_semaphore, #tpu.memory_space<semaphore_mem>>
      %dma_start3A = arith.constant 0 : i32
      %dma_start3A_13 = tpu.memref_slice %arg6[%arg0, %mul3A_12, %dma_start3A] : memref<2x10240x128xf32, #tpu.memory_space<hbm>> -> memref<1x640x128xf32, #tpu.memory_space<hbm>>
      %dma_start3A_14 = tpu.memref_squeeze %dma_start3A_13 : memref<1x640x128xf32, #tpu.memory_space<hbm>> -> memref<640x128xf32, #tpu.memory_space<hbm>>
      %dma_start3A_15 = arith.constant 0 : i32
      %dma_start3A_16 = tpu.memref_slice %arg7[%mul3A_10, %dma_start3A_15] : memref<10240x128xf32, #tpu.memory_space<vmem_shared>> -> memref<640x128xf32, #tpu.memory_space<vmem_shared>>
      tpu.enqueue_dma source(%dma_start3A_16 : memref<640x128xf32, #tpu.memory_space<vmem_shared>>) target(%dma_start3A_14 : memref<640x128xf32, #tpu.memory_space<hbm>>) target_semaphore(%run_scoped3A : memref<!tpu.dma_semaphore, #tpu.memory_space<semaphore_mem>>)
      %dma_wait3A = arith.constant 0 : i32
      %dma_wait3A_17 = tpu.memref_slice %arg6[%arg0, %mul3A_12, %dma_wait3A] : memref<2x10240x128xf32, #tpu.memory_space<hbm>> -> memref<1x640x128xf32, #tpu.memory_space<hbm>>
      %dma_wait3A_18 = tpu.memref_squeeze %dma_wait3A_17 : memref<1x640x128xf32, #tpu.memory_space<hbm>> -> memref<640x128xf32, #tpu.memory_space<hbm>>
      %dma_wait3A_19 = arith.constant 0 : i32
      %dma_wait3A_20 = tpu.memref_slice %arg7[%mul3A_10, %dma_wait3A_19] : memref<10240x128xf32, #tpu.memory_space<vmem_shared>> -> memref<640x128xf32, #tpu.memory_space<vmem_shared>>
      tpu.wait_dma2 semaphore(%run_scoped3A : memref<!tpu.dma_semaphore, #tpu.memory_space<semaphore_mem>>) src(%dma_wait3A_20 : memref<640x128xf32, #tpu.memory_space<vmem_shared>>) dst(%dma_wait3A_18 : memref<640x128xf32, #tpu.memory_space<hbm>>)
      tpu.yield
    }) : () -> ()
    return
  }
}

#map = affine_map<(d0, d1) -> (0, 0)>
#map1 = affine_map<(d0, d1) -> (0, 0, 0)>
module attributes {stable_mosaic.version = 14 : i64} {
  func.func @_sc_segment_sum_body(%arg0: i32, %arg1: i32, %arg2: memref<10240x128xf32, #tpu.memory_space<hbm>>, %arg3: memref<32x79x128xi32, #tpu.memory_space<hbm>>, %arg4: memref<32x79x128xi32, #tpu.memory_space<hbm>>, %arg5: memref<640x128xf32, #tpu.memory_space<hbm>>, %arg6: memref<2x10240x128xf32, #tpu.memory_space<hbm>>, %arg7: memref<10240x128xf32, #tpu.memory_space<vmem_shared>>, %arg8: memref<79x128xi32, #tpu.memory_space<vmem>>, %arg9: memref<79x128xi32, #tpu.memory_space<vmem>>, %arg10: memref<128x128xf32, #tpu.memory_space<vmem>>, %arg11: memref<!tpu.dma_semaphore, #tpu.memory_space<semaphore_mem>>) attributes {dimension_semantics = [#tpu.dimension_semantics<core_parallel>, #tpu.dimension_semantics<subcore_parallel>], iteration_bounds = array<i64: 2, 16>, scalar_prefetch = 0 : i64, scratch_operands = 5 : i64, tpu.core_type = #tpu.core_type<sc_vector_subcore>, window_params = [{transform_indices = #map}, {transform_indices = #map1}, {transform_indices = #map1}, {transform_indices = #map}, {transform_indices = #map1}]} {
    %mul3A = arith.constant 16 : i32
    %mul3A_0 = arith.muli %arg0, %mul3A : i32
    %add3A = arith.addi %mul3A_0, %arg1 : i32
    %mul3A_1 = arith.constant 640 : i32
    %mul3A_2 = arith.muli %arg1, %mul3A_1 : i32
    "tpu.region"() ({
      %run_scoped3A = tpu.sem_alloc : memref<!tpu.dma_semaphore, #tpu.memory_space<semaphore_mem>>
      %dma_start3A = arith.constant 0 : i32
      %dma_start3A_13 = tpu.memref_slice %arg7[%mul3A_2, %dma_start3A] : memref<10240x128xf32, #tpu.memory_space<vmem_shared>> -> memref<640x128xf32, #tpu.memory_space<vmem_shared>>
      tpu.enqueue_dma source(%arg5 : memref<640x128xf32, #tpu.memory_space<hbm>>) target(%dma_start3A_13 : memref<640x128xf32, #tpu.memory_space<vmem_shared>>) target_semaphore(%run_scoped3A : memref<!tpu.dma_semaphore, #tpu.memory_space<semaphore_mem>>)
      %dma_wait3A = arith.constant 0 : i32
      %dma_wait3A_14 = tpu.memref_slice %arg7[%mul3A_2, %dma_wait3A] : memref<10240x128xf32, #tpu.memory_space<vmem_shared>> -> memref<640x128xf32, #tpu.memory_space<vmem_shared>>
      tpu.wait_dma2 semaphore(%run_scoped3A : memref<!tpu.dma_semaphore, #tpu.memory_space<semaphore_mem>>) src(%arg5 : memref<640x128xf32, #tpu.memory_space<hbm>>) dst(%dma_wait3A_14 : memref<640x128xf32, #tpu.memory_space<vmem_shared>>)
      tpu.yield
    }) : () -> ()
    "tpu.region"() ({
      %run_scoped3A = tpu.sem_alloc : memref<!tpu.dma_semaphore, #tpu.memory_space<semaphore_mem>>
      %dma_start3A = arith.constant 0 : i32
      %dma_start3A_13 = arith.constant 0 : i32
      %dma_start3A_14 = tpu.memref_slice %arg3[%add3A, %dma_start3A, %dma_start3A_13] : memref<32x79x128xi32, #tpu.memory_space<hbm>> -> memref<1x79x128xi32, #tpu.memory_space<hbm>>
      %dma_start3A_15 = tpu.memref_squeeze %dma_start3A_14 : memref<1x79x128xi32, #tpu.memory_space<hbm>> -> memref<79x128xi32, #tpu.memory_space<hbm>>
      %dma_start3A_16 = arith.constant 0 : i32
      %dma_start3A_17 = arith.constant 0 : i32
      %dma_start3A_18 = tpu.memref_slice %arg3[%add3A, %dma_start3A_16, %dma_start3A_17] : memref<32x79x128xi32, #tpu.memory_space<hbm>> -> memref<1x79x128xi32, #tpu.memory_space<hbm>>
      %dma_start3A_19 = tpu.memref_squeeze %dma_start3A_18 : memref<1x79x128xi32, #tpu.memory_space<hbm>> -> memref<79x128xi32, #tpu.memory_space<hbm>>
      tpu.enqueue_dma source(%dma_start3A_19 : memref<79x128xi32, #tpu.memory_space<hbm>>) target(%arg8 : memref<79x128xi32, #tpu.memory_space<vmem>>) target_semaphore(%run_scoped3A : memref<!tpu.dma_semaphore, #tpu.memory_space<semaphore_mem>>)
      %dma_wait3A = arith.constant 0 : i32
      %dma_wait3A_20 = arith.constant 0 : i32
      %dma_wait3A_21 = tpu.memref_slice %arg3[%add3A, %dma_wait3A, %dma_wait3A_20] : memref<32x79x128xi32, #tpu.memory_space<hbm>> -> memref<1x79x128xi32, #tpu.memory_space<hbm>>
      %dma_wait3A_22 = tpu.memref_squeeze %dma_wait3A_21 : memref<1x79x128xi32, #tpu.memory_space<hbm>> -> memref<79x128xi32, #tpu.memory_space<hbm>>
      %dma_wait3A_23 = arith.constant 0 : i32
      %dma_wait3A_24 = arith.constant 0 : i32
      %dma_wait3A_25 = tpu.memref_slice %arg3[%add3A, %dma_wait3A_23, %dma_wait3A_24] : memref<32x79x128xi32, #tpu.memory_space<hbm>> -> memref<1x79x128xi32, #tpu.memory_space<hbm>>
      %dma_wait3A_26 = tpu.memref_squeeze %dma_wait3A_25 : memref<1x79x128xi32, #tpu.memory_space<hbm>> -> memref<79x128xi32, #tpu.memory_space<hbm>>
      tpu.wait_dma2 semaphore(%run_scoped3A : memref<!tpu.dma_semaphore, #tpu.memory_space<semaphore_mem>>) src(%dma_wait3A_26 : memref<79x128xi32, #tpu.memory_space<hbm>>) dst(%arg8 : memref<79x128xi32, #tpu.memory_space<vmem>>)
      tpu.yield
    }) : () -> ()
    "tpu.region"() ({
      %run_scoped3A = tpu.sem_alloc : memref<!tpu.dma_semaphore, #tpu.memory_space<semaphore_mem>>
      %dma_start3A = arith.constant 0 : i32
      %dma_start3A_13 = arith.constant 0 : i32
      %dma_start3A_14 = tpu.memref_slice %arg4[%add3A, %dma_start3A, %dma_start3A_13] : memref<32x79x128xi32, #tpu.memory_space<hbm>> -> memref<1x79x128xi32, #tpu.memory_space<hbm>>
      %dma_start3A_15 = tpu.memref_squeeze %dma_start3A_14 : memref<1x79x128xi32, #tpu.memory_space<hbm>> -> memref<79x128xi32, #tpu.memory_space<hbm>>
      %dma_start3A_16 = arith.constant 0 : i32
      %dma_start3A_17 = arith.constant 0 : i32
      %dma_start3A_18 = tpu.memref_slice %arg4[%add3A, %dma_start3A_16, %dma_start3A_17] : memref<32x79x128xi32, #tpu.memory_space<hbm>> -> memref<1x79x128xi32, #tpu.memory_space<hbm>>
      %dma_start3A_19 = tpu.memref_squeeze %dma_start3A_18 : memref<1x79x128xi32, #tpu.memory_space<hbm>> -> memref<79x128xi32, #tpu.memory_space<hbm>>
      tpu.enqueue_dma source(%dma_start3A_19 : memref<79x128xi32, #tpu.memory_space<hbm>>) target(%arg9 : memref<79x128xi32, #tpu.memory_space<vmem>>) target_semaphore(%run_scoped3A : memref<!tpu.dma_semaphore, #tpu.memory_space<semaphore_mem>>)
      %dma_wait3A = arith.constant 0 : i32
      %dma_wait3A_20 = arith.constant 0 : i32
      %dma_wait3A_21 = tpu.memref_slice %arg4[%add3A, %dma_wait3A, %dma_wait3A_20] : memref<32x79x128xi32, #tpu.memory_space<hbm>> -> memref<1x79x128xi32, #tpu.memory_space<hbm>>
      %dma_wait3A_22 = tpu.memref_squeeze %dma_wait3A_21 : memref<1x79x128xi32, #tpu.memory_space<hbm>> -> memref<79x128xi32, #tpu.memory_space<hbm>>
      %dma_wait3A_23 = arith.constant 0 : i32
      %dma_wait3A_24 = arith.constant 0 : i32
      %dma_wait3A_25 = tpu.memref_slice %arg4[%add3A, %dma_wait3A_23, %dma_wait3A_24] : memref<32x79x128xi32, #tpu.memory_space<hbm>> -> memref<1x79x128xi32, #tpu.memory_space<hbm>>
      %dma_wait3A_26 = tpu.memref_squeeze %dma_wait3A_25 : memref<1x79x128xi32, #tpu.memory_space<hbm>> -> memref<79x128xi32, #tpu.memory_space<hbm>>
      tpu.wait_dma2 semaphore(%run_scoped3A : memref<!tpu.dma_semaphore, #tpu.memory_space<semaphore_mem>>) src(%dma_wait3A_26 : memref<79x128xi32, #tpu.memory_space<hbm>>) dst(%arg9 : memref<79x128xi32, #tpu.memory_space<vmem>>)
      tpu.yield
    }) : () -> ()
    %barrier3A = arith.constant 0 : index
    tpu.barrier barrier_id(%barrier3A)
    %scan3A = arith.constant 0 : i32
    %scan3A_3 = arith.constant 0 : i32
    %scan3A_4 = arith.constant 79 : i32
    %scan3A_5 = arith.addi %scan3A_3, %scan3A_4 : i32
    %scan3A_6 = arith.constant 1 : i32
    scf.for %scan3A_13 = %scan3A_3 to %scan3A_5 step %scan3A_6  : i32 {
      %dma_start3A = arith.constant 0 : i32
      %dma_start3A_14 = tpu.memref_slice %arg8[%scan3A_13, %dma_start3A] : memref<79x128xi32, #tpu.memory_space<vmem>> -> memref<1x128xi32, #tpu.memory_space<vmem>>
      %dma_start3A_15 = tpu.memref_squeeze %dma_start3A_14 : memref<1x128xi32, #tpu.memory_space<vmem>> -> memref<128xi32, #tpu.memory_space<vmem>>
      %dma_start3A_16 = arith.constant 0 : i32
      %dma_start3A_17 = arith.constant 0 : i32
      %dma_start3A_18 = tpu.memref_slice %arg2[%dma_start3A_16, %dma_start3A_17] : memref<10240x128xf32, #tpu.memory_space<hbm>> -> memref<10240x128xf32, #tpu.memory_space<hbm>>
      tpu.enqueue_indirect_dma source(%dma_start3A_18 : memref<10240x128xf32, #tpu.memory_space<hbm>>) target(%arg10 : memref<128x128xf32, #tpu.memory_space<vmem>>) offsets(%dma_start3A_15 : memref<128xi32, #tpu.memory_space<vmem>>) semaphore(%arg11 : memref<!tpu.dma_semaphore, #tpu.memory_space<semaphore_mem>>)
      %dma_wait3A = arith.constant 0 : i32
      %dma_wait3A_19 = tpu.memref_slice %arg8[%scan3A_13, %dma_wait3A] : memref<79x128xi32, #tpu.memory_space<vmem>> -> memref<1x128xi32, #tpu.memory_space<vmem>>
      %dma_wait3A_20 = tpu.memref_squeeze %dma_wait3A_19 : memref<1x128xi32, #tpu.memory_space<vmem>> -> memref<128xi32, #tpu.memory_space<vmem>>
      %dma_wait3A_21 = arith.constant 0 : i32
      %dma_wait3A_22 = arith.constant 0 : i32
      %dma_wait3A_23 = tpu.memref_slice %arg2[%dma_wait3A_21, %dma_wait3A_22] : memref<10240x128xf32, #tpu.memory_space<hbm>> -> memref<10240x128xf32, #tpu.memory_space<hbm>>
      tpu.wait_indirect_dma semaphore(%arg11 : memref<!tpu.dma_semaphore, #tpu.memory_space<semaphore_mem>>) src(%dma_wait3A_23 : memref<10240x128xf32, #tpu.memory_space<hbm>>) dst(%arg10 : memref<128x128xf32, #tpu.memory_space<vmem>>)
      "tpu.region"() ({
        %run_scoped3A = tpu.sem_alloc : memref<!tpu.dma_semaphore, #tpu.memory_space<semaphore_mem>>
        %dma_start3A_24 = arith.constant 0 : i32
        %dma_start3A_25 = tpu.memref_slice %arg9[%scan3A_13, %dma_start3A_24] : memref<79x128xi32, #tpu.memory_space<vmem>> -> memref<1x128xi32, #tpu.memory_space<vmem>>
        %dma_start3A_26 = tpu.memref_squeeze %dma_start3A_25 : memref<1x128xi32, #tpu.memory_space<vmem>> -> memref<128xi32, #tpu.memory_space<vmem>>
        %dma_start3A_27 = arith.constant 0 : i32
        %dma_start3A_28 = arith.constant 0 : i32
        %dma_start3A_29 = tpu.memref_slice %arg7[%dma_start3A_27, %dma_start3A_28] : memref<10240x128xf32, #tpu.memory_space<vmem_shared>> -> memref<10240x128xf32, #tpu.memory_space<vmem_shared>>
        tpu.enqueue_indirect_dma source(%arg10 : memref<128x128xf32, #tpu.memory_space<vmem>>) target(%dma_start3A_29 : memref<10240x128xf32, #tpu.memory_space<vmem_shared>>) offsets(%dma_start3A_26 : memref<128xi32, #tpu.memory_space<vmem>>) semaphore(%run_scoped3A : memref<!tpu.dma_semaphore, #tpu.memory_space<semaphore_mem>>) {add = true}
        %dma_wait3A_30 = arith.constant 0 : i32
        %dma_wait3A_31 = tpu.memref_slice %arg9[%scan3A_13, %dma_wait3A_30] : memref<79x128xi32, #tpu.memory_space<vmem>> -> memref<1x128xi32, #tpu.memory_space<vmem>>
        %dma_wait3A_32 = tpu.memref_squeeze %dma_wait3A_31 : memref<1x128xi32, #tpu.memory_space<vmem>> -> memref<128xi32, #tpu.memory_space<vmem>>
        %dma_wait3A_33 = arith.constant 0 : i32
        %dma_wait3A_34 = arith.constant 0 : i32
        %dma_wait3A_35 = tpu.memref_slice %arg7[%dma_wait3A_33, %dma_wait3A_34] : memref<10240x128xf32, #tpu.memory_space<vmem_shared>> -> memref<10240x128xf32, #tpu.memory_space<vmem_shared>>
        tpu.wait_indirect_dma semaphore(%run_scoped3A : memref<!tpu.dma_semaphore, #tpu.memory_space<semaphore_mem>>) src(%arg10 : memref<128x128xf32, #tpu.memory_space<vmem>>) dst(%dma_wait3A_35 : memref<10240x128xf32, #tpu.memory_space<vmem_shared>>)
        tpu.yield
      }) : () -> ()
    }
    %scan3A_7 = arith.constant 79 : i32
    %barrier3A_8 = arith.constant 0 : index
    tpu.barrier barrier_id(%barrier3A_8)
    %mul3A_9 = arith.constant 640 : i32
    %mul3A_10 = arith.muli %arg1, %mul3A_9 : i32
    %mul3A_11 = arith.constant 640 : i32
    %mul3A_12 = arith.muli %arg1, %mul3A_11 : i32
    "tpu.region"() ({
      %run_scoped3A = tpu.sem_alloc : memref<!tpu.dma_semaphore, #tpu.memory_space<semaphore_mem>>
      %dma_start3A = arith.constant 0 : i32
      %dma_start3A_13 = tpu.memref_slice %arg6[%arg0, %mul3A_12, %dma_start3A] : memref<2x10240x128xf32, #tpu.memory_space<hbm>> -> memref<1x640x128xf32, #tpu.memory_space<hbm>>
      %dma_start3A_14 = tpu.memref_squeeze %dma_start3A_13 : memref<1x640x128xf32, #tpu.memory_space<hbm>> -> memref<640x128xf32, #tpu.memory_space<hbm>>
      %dma_start3A_15 = arith.constant 0 : i32
      %dma_start3A_16 = tpu.memref_slice %arg7[%mul3A_10, %dma_start3A_15] : memref<10240x128xf32, #tpu.memory_space<vmem_shared>> -> memref<640x128xf32, #tpu.memory_space<vmem_shared>>
      tpu.enqueue_dma source(%dma_start3A_16 : memref<640x128xf32, #tpu.memory_space<vmem_shared>>) target(%dma_start3A_14 : memref<640x128xf32, #tpu.memory_space<hbm>>) target_semaphore(%run_scoped3A : memref<!tpu.dma_semaphore, #tpu.memory_space<semaphore_mem>>)
      %dma_wait3A = arith.constant 0 : i32
      %dma_wait3A_17 = tpu.memref_slice %arg6[%arg0, %mul3A_12, %dma_wait3A] : memref<2x10240x128xf32, #tpu.memory_space<hbm>> -> memref<1x640x128xf32, #tpu.memory_space<hbm>>
      %dma_wait3A_18 = tpu.memref_squeeze %dma_wait3A_17 : memref<1x640x128xf32, #tpu.memory_space<hbm>> -> memref<640x128xf32, #tpu.memory_space<hbm>>
      %dma_wait3A_19 = arith.constant 0 : i32
      %dma_wait3A_20 = tpu.memref_slice %arg7[%mul3A_10, %dma_wait3A_19] : memref<10240x128xf32, #tpu.memory_space<vmem_shared>> -> memref<640x128xf32, #tpu.memory_space<vmem_shared>>
      tpu.wait_dma2 semaphore(%run_scoped3A : memref<!tpu.dma_semaphore, #tpu.memory_space<semaphore_mem>>) src(%dma_wait3A_20 : memref<640x128xf32, #tpu.memory_space<vmem_shared>>) dst(%dma_wait3A_18 : memref<640x128xf32, #tpu.memory_space<hbm>>)
      tpu.yield
    }) : () -> ()
    return
  }
}

#map = affine_map<(d0, d1) -> (0, 0)>
#map1 = affine_map<(d0, d1) -> (0, 0, 0)>
module attributes {stable_mosaic.version = 14 : i64} {
  func.func @_sc_segment_sum_body(%arg0: i32, %arg1: i32, %arg2: memref<10240x128xf32, #tpu.memory_space<hbm>>, %arg3: memref<32x79x128xi32, #tpu.memory_space<hbm>>, %arg4: memref<32x79x128xi32, #tpu.memory_space<hbm>>, %arg5: memref<640x128xf32, #tpu.memory_space<hbm>>, %arg6: memref<2x10240x128xf32, #tpu.memory_space<hbm>>, %arg7: memref<10240x128xf32, #tpu.memory_space<vmem_shared>>, %arg8: memref<79x128xi32, #tpu.memory_space<vmem>>, %arg9: memref<79x128xi32, #tpu.memory_space<vmem>>, %arg10: memref<128x128xf32, #tpu.memory_space<vmem>>, %arg11: memref<!tpu.dma_semaphore, #tpu.memory_space<semaphore_mem>>) attributes {dimension_semantics = [#tpu.dimension_semantics<core_parallel>, #tpu.dimension_semantics<subcore_parallel>], iteration_bounds = array<i64: 2, 16>, scalar_prefetch = 0 : i64, scratch_operands = 5 : i64, tpu.core_type = #tpu.core_type<sc_vector_subcore>, window_params = [{transform_indices = #map}, {transform_indices = #map1}, {transform_indices = #map1}, {transform_indices = #map}, {transform_indices = #map1}]} {
    %mul3A = arith.constant 16 : i32
    %mul3A_0 = arith.muli %arg0, %mul3A : i32
    %add3A = arith.addi %mul3A_0, %arg1 : i32
    %mul3A_1 = arith.constant 640 : i32
    %mul3A_2 = arith.muli %arg1, %mul3A_1 : i32
    "tpu.region"() ({
      %run_scoped3A = tpu.sem_alloc : memref<!tpu.dma_semaphore, #tpu.memory_space<semaphore_mem>>
      %dma_start3A = arith.constant 0 : i32
      %dma_start3A_13 = tpu.memref_slice %arg7[%mul3A_2, %dma_start3A] : memref<10240x128xf32, #tpu.memory_space<vmem_shared>> -> memref<640x128xf32, #tpu.memory_space<vmem_shared>>
      tpu.enqueue_dma source(%arg5 : memref<640x128xf32, #tpu.memory_space<hbm>>) target(%dma_start3A_13 : memref<640x128xf32, #tpu.memory_space<vmem_shared>>) target_semaphore(%run_scoped3A : memref<!tpu.dma_semaphore, #tpu.memory_space<semaphore_mem>>)
      %dma_wait3A = arith.constant 0 : i32
      %dma_wait3A_14 = tpu.memref_slice %arg7[%mul3A_2, %dma_wait3A] : memref<10240x128xf32, #tpu.memory_space<vmem_shared>> -> memref<640x128xf32, #tpu.memory_space<vmem_shared>>
      tpu.wait_dma2 semaphore(%run_scoped3A : memref<!tpu.dma_semaphore, #tpu.memory_space<semaphore_mem>>) src(%arg5 : memref<640x128xf32, #tpu.memory_space<hbm>>) dst(%dma_wait3A_14 : memref<640x128xf32, #tpu.memory_space<vmem_shared>>)
      tpu.yield
    }) : () -> ()
    "tpu.region"() ({
      %run_scoped3A = tpu.sem_alloc : memref<!tpu.dma_semaphore, #tpu.memory_space<semaphore_mem>>
      %dma_start3A = arith.constant 0 : i32
      %dma_start3A_13 = arith.constant 0 : i32
      %dma_start3A_14 = tpu.memref_slice %arg3[%add3A, %dma_start3A, %dma_start3A_13] : memref<32x79x128xi32, #tpu.memory_space<hbm>> -> memref<1x79x128xi32, #tpu.memory_space<hbm>>
      %dma_start3A_15 = tpu.memref_squeeze %dma_start3A_14 : memref<1x79x128xi32, #tpu.memory_space<hbm>> -> memref<79x128xi32, #tpu.memory_space<hbm>>
      %dma_start3A_16 = arith.constant 0 : i32
      %dma_start3A_17 = arith.constant 0 : i32
      %dma_start3A_18 = tpu.memref_slice %arg3[%add3A, %dma_start3A_16, %dma_start3A_17] : memref<32x79x128xi32, #tpu.memory_space<hbm>> -> memref<1x79x128xi32, #tpu.memory_space<hbm>>
      %dma_start3A_19 = tpu.memref_squeeze %dma_start3A_18 : memref<1x79x128xi32, #tpu.memory_space<hbm>> -> memref<79x128xi32, #tpu.memory_space<hbm>>
      tpu.enqueue_dma source(%dma_start3A_19 : memref<79x128xi32, #tpu.memory_space<hbm>>) target(%arg8 : memref<79x128xi32, #tpu.memory_space<vmem>>) target_semaphore(%run_scoped3A : memref<!tpu.dma_semaphore, #tpu.memory_space<semaphore_mem>>)
      %dma_wait3A = arith.constant 0 : i32
      %dma_wait3A_20 = arith.constant 0 : i32
      %dma_wait3A_21 = tpu.memref_slice %arg3[%add3A, %dma_wait3A, %dma_wait3A_20] : memref<32x79x128xi32, #tpu.memory_space<hbm>> -> memref<1x79x128xi32, #tpu.memory_space<hbm>>
      %dma_wait3A_22 = tpu.memref_squeeze %dma_wait3A_21 : memref<1x79x128xi32, #tpu.memory_space<hbm>> -> memref<79x128xi32, #tpu.memory_space<hbm>>
      %dma_wait3A_23 = arith.constant 0 : i32
      %dma_wait3A_24 = arith.constant 0 : i32
      %dma_wait3A_25 = tpu.memref_slice %arg3[%add3A, %dma_wait3A_23, %dma_wait3A_24] : memref<32x79x128xi32, #tpu.memory_space<hbm>> -> memref<1x79x128xi32, #tpu.memory_space<hbm>>
      %dma_wait3A_26 = tpu.memref_squeeze %dma_wait3A_25 : memref<1x79x128xi32, #tpu.memory_space<hbm>> -> memref<79x128xi32, #tpu.memory_space<hbm>>
      tpu.wait_dma2 semaphore(%run_scoped3A : memref<!tpu.dma_semaphore, #tpu.memory_space<semaphore_mem>>) src(%dma_wait3A_26 : memref<79x128xi32, #tpu.memory_space<hbm>>) dst(%arg8 : memref<79x128xi32, #tpu.memory_space<vmem>>)
      tpu.yield
    }) : () -> ()
    "tpu.region"() ({
      %run_scoped3A = tpu.sem_alloc : memref<!tpu.dma_semaphore, #tpu.memory_space<semaphore_mem>>
      %dma_start3A = arith.constant 0 : i32
      %dma_start3A_13 = arith.constant 0 : i32
      %dma_start3A_14 = tpu.memref_slice %arg4[%add3A, %dma_start3A, %dma_start3A_13] : memref<32x79x128xi32, #tpu.memory_space<hbm>> -> memref<1x79x128xi32, #tpu.memory_space<hbm>>
      %dma_start3A_15 = tpu.memref_squeeze %dma_start3A_14 : memref<1x79x128xi32, #tpu.memory_space<hbm>> -> memref<79x128xi32, #tpu.memory_space<hbm>>
      %dma_start3A_16 = arith.constant 0 : i32
      %dma_start3A_17 = arith.constant 0 : i32
      %dma_start3A_18 = tpu.memref_slice %arg4[%add3A, %dma_start3A_16, %dma_start3A_17] : memref<32x79x128xi32, #tpu.memory_space<hbm>> -> memref<1x79x128xi32, #tpu.memory_space<hbm>>
      %dma_start3A_19 = tpu.memref_squeeze %dma_start3A_18 : memref<1x79x128xi32, #tpu.memory_space<hbm>> -> memref<79x128xi32, #tpu.memory_space<hbm>>
      tpu.enqueue_dma source(%dma_start3A_19 : memref<79x128xi32, #tpu.memory_space<hbm>>) target(%arg9 : memref<79x128xi32, #tpu.memory_space<vmem>>) target_semaphore(%run_scoped3A : memref<!tpu.dma_semaphore, #tpu.memory_space<semaphore_mem>>)
      %dma_wait3A = arith.constant 0 : i32
      %dma_wait3A_20 = arith.constant 0 : i32
      %dma_wait3A_21 = tpu.memref_slice %arg4[%add3A, %dma_wait3A, %dma_wait3A_20] : memref<32x79x128xi32, #tpu.memory_space<hbm>> -> memref<1x79x128xi32, #tpu.memory_space<hbm>>
      %dma_wait3A_22 = tpu.memref_squeeze %dma_wait3A_21 : memref<1x79x128xi32, #tpu.memory_space<hbm>> -> memref<79x128xi32, #tpu.memory_space<hbm>>
      %dma_wait3A_23 = arith.constant 0 : i32
      %dma_wait3A_24 = arith.constant 0 : i32
      %dma_wait3A_25 = tpu.memref_slice %arg4[%add3A, %dma_wait3A_23, %dma_wait3A_24] : memref<32x79x128xi32, #tpu.memory_space<hbm>> -> memref<1x79x128xi32, #tpu.memory_space<hbm>>
      %dma_wait3A_26 = tpu.memref_squeeze %dma_wait3A_25 : memref<1x79x128xi32, #tpu.memory_space<hbm>> -> memref<79x128xi32, #tpu.memory_space<hbm>>
      tpu.wait_dma2 semaphore(%run_scoped3A : memref<!tpu.dma_semaphore, #tpu.memory_space<semaphore_mem>>) src(%dma_wait3A_26 : memref<79x128xi32, #tpu.memory_space<hbm>>) dst(%arg9 : memref<79x128xi32, #tpu.memory_space<vmem>>)
      tpu.yield
    }) : () -> ()
    %barrier3A = arith.constant 0 : index
    tpu.barrier barrier_id(%barrier3A)
    %scan3A = arith.constant 0 : i32
    %scan3A_3 = arith.constant 0 : i32
    %scan3A_4 = arith.constant 79 : i32
    %scan3A_5 = arith.addi %scan3A_3, %scan3A_4 : i32
    %scan3A_6 = arith.constant 1 : i32
    scf.for %scan3A_13 = %scan3A_3 to %scan3A_5 step %scan3A_6  : i32 {
      %dma_start3A = arith.constant 0 : i32
      %dma_start3A_14 = tpu.memref_slice %arg8[%scan3A_13, %dma_start3A] : memref<79x128xi32, #tpu.memory_space<vmem>> -> memref<1x128xi32, #tpu.memory_space<vmem>>
      %dma_start3A_15 = tpu.memref_squeeze %dma_start3A_14 : memref<1x128xi32, #tpu.memory_space<vmem>> -> memref<128xi32, #tpu.memory_space<vmem>>
      %dma_start3A_16 = arith.constant 0 : i32
      %dma_start3A_17 = arith.constant 0 : i32
      %dma_start3A_18 = tpu.memref_slice %arg2[%dma_start3A_16, %dma_start3A_17] : memref<10240x128xf32, #tpu.memory_space<hbm>> -> memref<10240x128xf32, #tpu.memory_space<hbm>>
      tpu.enqueue_indirect_dma source(%dma_start3A_18 : memref<10240x128xf32, #tpu.memory_space<hbm>>) target(%arg10 : memref<128x128xf32, #tpu.memory_space<vmem>>) offsets(%dma_start3A_15 : memref<128xi32, #tpu.memory_space<vmem>>) semaphore(%arg11 : memref<!tpu.dma_semaphore, #tpu.memory_space<semaphore_mem>>)
      %dma_wait3A = arith.constant 0 : i32
      %dma_wait3A_19 = tpu.memref_slice %arg8[%scan3A_13, %dma_wait3A] : memref<79x128xi32, #tpu.memory_space<vmem>> -> memref<1x128xi32, #tpu.memory_space<vmem>>
      %dma_wait3A_20 = tpu.memref_squeeze %dma_wait3A_19 : memref<1x128xi32, #tpu.memory_space<vmem>> -> memref<128xi32, #tpu.memory_space<vmem>>
      %dma_wait3A_21 = arith.constant 0 : i32
      %dma_wait3A_22 = arith.constant 0 : i32
      %dma_wait3A_23 = tpu.memref_slice %arg2[%dma_wait3A_21, %dma_wait3A_22] : memref<10240x128xf32, #tpu.memory_space<hbm>> -> memref<10240x128xf32, #tpu.memory_space<hbm>>
      tpu.wait_indirect_dma semaphore(%arg11 : memref<!tpu.dma_semaphore, #tpu.memory_space<semaphore_mem>>) src(%dma_wait3A_23 : memref<10240x128xf32, #tpu.memory_space<hbm>>) dst(%arg10 : memref<128x128xf32, #tpu.memory_space<vmem>>)
      "tpu.region"() ({
        %run_scoped3A = tpu.sem_alloc : memref<!tpu.dma_semaphore, #tpu.memory_space<semaphore_mem>>
        %dma_start3A_24 = arith.constant 0 : i32
        %dma_start3A_25 = tpu.memref_slice %arg9[%scan3A_13, %dma_start3A_24] : memref<79x128xi32, #tpu.memory_space<vmem>> -> memref<1x128xi32, #tpu.memory_space<vmem>>
        %dma_start3A_26 = tpu.memref_squeeze %dma_start3A_25 : memref<1x128xi32, #tpu.memory_space<vmem>> -> memref<128xi32, #tpu.memory_space<vmem>>
        %dma_start3A_27 = arith.constant 0 : i32
        %dma_start3A_28 = arith.constant 0 : i32
        %dma_start3A_29 = tpu.memref_slice %arg7[%dma_start3A_27, %dma_start3A_28] : memref<10240x128xf32, #tpu.memory_space<vmem_shared>> -> memref<10240x128xf32, #tpu.memory_space<vmem_shared>>
        tpu.enqueue_indirect_dma source(%arg10 : memref<128x128xf32, #tpu.memory_space<vmem>>) target(%dma_start3A_29 : memref<10240x128xf32, #tpu.memory_space<vmem_shared>>) offsets(%dma_start3A_26 : memref<128xi32, #tpu.memory_space<vmem>>) semaphore(%run_scoped3A : memref<!tpu.dma_semaphore, #tpu.memory_space<semaphore_mem>>) {add = true}
        %dma_wait3A_30 = arith.constant 0 : i32
        %dma_wait3A_31 = tpu.memref_slice %arg9[%scan3A_13, %dma_wait3A_30] : memref<79x128xi32, #tpu.memory_space<vmem>> -> memref<1x128xi32, #tpu.memory_space<vmem>>
        %dma_wait3A_32 = tpu.memref_squeeze %dma_wait3A_31 : memref<1x128xi32, #tpu.memory_space<vmem>> -> memref<128xi32, #tpu.memory_space<vmem>>
        %dma_wait3A_33 = arith.constant 0 : i32
        %dma_wait3A_34 = arith.constant 0 : i32
        %dma_wait3A_35 = tpu.memref_slice %arg7[%dma_wait3A_33, %dma_wait3A_34] : memref<10240x128xf32, #tpu.memory_space<vmem_shared>> -> memref<10240x128xf32, #tpu.memory_space<vmem_shared>>
        tpu.wait_indirect_dma semaphore(%run_scoped3A : memref<!tpu.dma_semaphore, #tpu.memory_space<semaphore_mem>>) src(%arg10 : memref<128x128xf32, #tpu.memory_space<vmem>>) dst(%dma_wait3A_35 : memref<10240x128xf32, #tpu.memory_space<vmem_shared>>)
        tpu.yield
      }) : () -> ()
    }
    %scan3A_7 = arith.constant 79 : i32
    %barrier3A_8 = arith.constant 0 : index
    tpu.barrier barrier_id(%barrier3A_8)
    %mul3A_9 = arith.constant 640 : i32
    %mul3A_10 = arith.muli %arg1, %mul3A_9 : i32
    %mul3A_11 = arith.constant 640 : i32
    %mul3A_12 = arith.muli %arg1, %mul3A_11 : i32
    "tpu.region"() ({
      %run_scoped3A = tpu.sem_alloc : memref<!tpu.dma_semaphore, #tpu.memory_space<semaphore_mem>>
      %dma_start3A = arith.constant 0 : i32
      %dma_start3A_13 = tpu.memref_slice %arg6[%arg0, %mul3A_12, %dma_start3A] : memref<2x10240x128xf32, #tpu.memory_space<hbm>> -> memref<1x640x128xf32, #tpu.memory_space<hbm>>
      %dma_start3A_14 = tpu.memref_squeeze %dma_start3A_13 : memref<1x640x128xf32, #tpu.memory_space<hbm>> -> memref<640x128xf32, #tpu.memory_space<hbm>>
      %dma_start3A_15 = arith.constant 0 : i32
      %dma_start3A_16 = tpu.memref_slice %arg7[%mul3A_10, %dma_start3A_15] : memref<10240x128xf32, #tpu.memory_space<vmem_shared>> -> memref<640x128xf32, #tpu.memory_space<vmem_shared>>
      tpu.enqueue_dma source(%dma_start3A_16 : memref<640x128xf32, #tpu.memory_space<vmem_shared>>) target(%dma_start3A_14 : memref<640x128xf32, #tpu.memory_space<hbm>>) target_semaphore(%run_scoped3A : memref<!tpu.dma_semaphore, #tpu.memory_space<semaphore_mem>>)
      %dma_wait3A = arith.constant 0 : i32
      %dma_wait3A_17 = tpu.memref_slice %arg6[%arg0, %mul3A_12, %dma_wait3A] : memref<2x10240x128xf32, #tpu.memory_space<hbm>> -> memref<1x640x128xf32, #tpu.memory_space<hbm>>
      %dma_wait3A_18 = tpu.memref_squeeze %dma_wait3A_17 : memref<1x640x128xf32, #tpu.memory_space<hbm>> -> memref<640x128xf32, #tpu.memory_space<hbm>>
      %dma_wait3A_19 = arith.constant 0 : i32
      %dma_wait3A_20 = tpu.memref_slice %arg7[%mul3A_10, %dma_wait3A_19] : memref<10240x128xf32, #tpu.memory_space<vmem_shared>> -> memref<640x128xf32, #tpu.memory_space<vmem_shared>>
      tpu.wait_dma2 semaphore(%run_scoped3A : memref<!tpu.dma_semaphore, #tpu.memory_space<semaphore_mem>>) src(%dma_wait3A_20 : memref<640x128xf32, #tpu.memory_space<vmem_shared>>) dst(%dma_wait3A_18 : memref<640x128xf32, #tpu.memory_space<hbm>>)
      tpu.yield
    }) : () -> ()
    return
  }
}

module attributes {stable_mosaic.version = 14 : i64} {
  func.func @_tc_dense_body(%arg0: i32, %arg1: memref<2x2048x128xf32, #tpu.memory_space<vmem>>, %arg2: memref<128x128xf32, #tpu.memory_space<vmem>>, %arg3: memref<1x128xf32, #tpu.memory_space<vmem>>, %arg4: memref<128x384xf32, #tpu.memory_space<vmem>>, %arg5: memref<2x384xf32, #tpu.memory_space<vmem>>, %arg6: memref<2048x128xf32, #tpu.memory_space<vmem>>) attributes {dimension_semantics = [#tpu.dimension_semantics<arbitrary>], iteration_bounds = array<i64: 5>, scalar_prefetch = 0 : i64, scratch_operands = 0 : i64, tpu.core_type = #tpu.core_type<tc>, window_params = [{transform_indices = @transform_0, window_bounds = array<i64: 2, 2048, 128>}, {pipeline_mode = #tpu.pipeline_mode<synchronous>, transform_indices = @transform_1, window_bounds = array<i64: 128, 128>}, {pipeline_mode = #tpu.pipeline_mode<synchronous>, transform_indices = @transform_2, window_bounds = array<i64: 1, 128>}, {pipeline_mode = #tpu.pipeline_mode<synchronous>, transform_indices = @transform_3, window_bounds = array<i64: 128, 384>}, {pipeline_mode = #tpu.pipeline_mode<synchronous>, transform_indices = @transform_4, window_bounds = array<i64: 2, 384>}, {transform_indices = @transform_5, window_bounds = array<i64: 2048, 128>}]} {
    %get3A = arith.constant 0 : index
    %get3A_0 = arith.constant 0 : index
    %get3A_1 = arith.constant 0 : index
    %get3A_2 = vector.load %arg1[%get3A, %get3A_0, %get3A_1] : memref<2x2048x128xf32, #tpu.memory_space<vmem>>, vector<1x2048x128xf32>
    %get3A_3 = vector.shape_cast %get3A_2 : vector<1x2048x128xf32> to vector<2048x128xf32>
    %get3A_4 = arith.constant 1 : index
    %get3A_5 = arith.constant 0 : index
    %get3A_6 = arith.constant 0 : index
    %get3A_7 = vector.load %arg1[%get3A_4, %get3A_5, %get3A_6] : memref<2x2048x128xf32, #tpu.memory_space<vmem>>, vector<1x2048x128xf32>
    %get3A_8 = vector.shape_cast %get3A_7 : vector<1x2048x128xf32> to vector<2048x128xf32>
    %add3A = arith.addf %get3A_3, %get3A_8 : vector<2048x128xf32>
    %get3A_9 = arith.constant 0 : index
    %get3A_10 = arith.constant 0 : index
    %get3A_11 = vector.load %arg2[%get3A_9, %get3A_10] : memref<128x128xf32, #tpu.memory_space<vmem>>, vector<128x128xf32>
    %dot_general3A = arith.constant dense<0.000000e+00> : vector<2048x128xf32>
    %dot_general3A_12 = tpu.matmul %add3A, %get3A_11, %dot_general3A {dimension_numbers = #tpu.dot_dimension_numbers<[1], [0], [0], [1], [0, 0, 1, 1], [], []>, transpose_lhs_hint = false} : vector<2048x128xf32>, vector<128x128xf32>, vector<2048x128xf32> -> vector<2048x128xf32>
    %get3A_13 = arith.constant 0 : index
    %get3A_14 = arith.constant 0 : index
    %get3A_15 = vector.load %arg3[%get3A_13, %get3A_14] : memref<1x128xf32, #tpu.memory_space<vmem>>, vector<1x128xf32>
    %add3A_16 = vector.broadcast %get3A_15 : vector<1x128xf32> to vector<2048x128xf32>
    %add3A_17 = arith.addf %dot_general3A_12, %add3A_16 : vector<2048x128xf32>
    %get3A_18 = arith.constant 0 : index
    %get3A_19 = arith.constant 0 : index
    %get3A_20 = vector.load %arg4[%get3A_18, %get3A_19] : memref<128x384xf32, #tpu.memory_space<vmem>>, vector<128x384xf32>
    %dot_general3A_21 = arith.constant dense<0.000000e+00> : vector<2048x384xf32>
    %dot_general3A_22 = tpu.matmul %add3A_17, %get3A_20, %dot_general3A_21 {dimension_numbers = #tpu.dot_dimension_numbers<[1], [0], [0], [1], [0, 0, 1, 1], [], []>, transpose_lhs_hint = false} : vector<2048x128xf32>, vector<128x384xf32>, vector<2048x384xf32> -> vector<2048x384xf32>
    %get3A_23 = arith.constant 0 : index
    %get3A_24 = arith.constant 0 : index
    %get3A_25 = vector.load %arg5[%get3A_23, %get3A_24] : memref<2x384xf32, #tpu.memory_space<vmem>>, vector<1x384xf32>
    %add3A_26 = vector.broadcast %get3A_25 : vector<1x384xf32> to vector<2048x384xf32>
    %add3A_27 = arith.addf %dot_general3A_22, %add3A_26 : vector<2048x384xf32>
    %get3A_28 = arith.constant 1 : index
    %get3A_29 = arith.constant 0 : index
    %get3A_30 = vector.load %arg5[%get3A_28, %get3A_29] : memref<2x384xf32, #tpu.memory_space<vmem>>, vector<1x384xf32>
    %slice3A = vector.extract_strided_slice %add3A_27 {offsets = [0, 0], sizes = [2048, 128], strides = [1, 1]} : vector<2048x384xf32> to vector<2048x128xf32>
    %slice3A_31 = vector.extract_strided_slice %get3A_30 {offsets = [0, 0], sizes = [1, 128], strides = [1, 1]} : vector<1x384xf32> to vector<1x128xf32>
    %add3A_32 = vector.broadcast %slice3A_31 : vector<1x128xf32> to vector<2048x128xf32>
    %add3A_33 = arith.addf %slice3A, %add3A_32 : vector<2048x128xf32>
    %logistic3A = arith.negf %add3A_33 : vector<2048x128xf32>
    %logistic3A_34 = math.exp %logistic3A : vector<2048x128xf32>
    %logistic3A_35 = arith.constant 1.000000e+00 : f32
    %logistic3A_36 = vector.broadcast %logistic3A_35 : f32 to vector<2048x128xf32>
    %logistic3A_37 = arith.addf %logistic3A_36, %logistic3A_34 : vector<2048x128xf32>
    %logistic3A_38 = arith.divf %logistic3A_36, %logistic3A_37 : vector<2048x128xf32>
    %slice3A_39 = vector.extract_strided_slice %add3A_27 {offsets = [0, 128], sizes = [2048, 128], strides = [1, 1]} : vector<2048x384xf32> to vector<2048x128xf32>
    %slice3A_40 = vector.extract_strided_slice %get3A_30 {offsets = [0, 128], sizes = [1, 128], strides = [1, 1]} : vector<1x384xf32> to vector<1x128xf32>
    %add3A_41 = vector.broadcast %slice3A_40 : vector<1x128xf32> to vector<2048x128xf32>
    %add3A_42 = arith.addf %slice3A_39, %add3A_41 : vector<2048x128xf32>
    %logistic3A_43 = arith.negf %add3A_42 : vector<2048x128xf32>
    %logistic3A_44 = math.exp %logistic3A_43 : vector<2048x128xf32>
    %logistic3A_45 = arith.constant 1.000000e+00 : f32
    %logistic3A_46 = vector.broadcast %logistic3A_45 : f32 to vector<2048x128xf32>
    %logistic3A_47 = arith.addf %logistic3A_46, %logistic3A_44 : vector<2048x128xf32>
    %logistic3A_48 = arith.divf %logistic3A_46, %logistic3A_47 : vector<2048x128xf32>
    %slice3A_49 = vector.extract_strided_slice %add3A_27 {offsets = [0, 256], sizes = [2048, 128], strides = [1, 1]} : vector<2048x384xf32> to vector<2048x128xf32>
    %slice3A_50 = vector.extract_strided_slice %get3A_30 {offsets = [0, 256], sizes = [1, 128], strides = [1, 1]} : vector<1x384xf32> to vector<1x128xf32>
    %mul3A = vector.broadcast %slice3A_50 : vector<1x128xf32> to vector<2048x128xf32>
    %mul3A_51 = arith.mulf %logistic3A_48, %mul3A : vector<2048x128xf32>
    %add3A_52 = arith.addf %slice3A_49, %mul3A_51 : vector<2048x128xf32>
    %tanh3A = math.tanh %add3A_52 : vector<2048x128xf32>
    %sub3A = arith.constant 1.000000e+00 : f32
    %sub3A_53 = vector.broadcast %sub3A : f32 to vector<2048x128xf32>
    %sub3A_54 = arith.subf %sub3A_53, %logistic3A_38 : vector<2048x128xf32>
    %mul3A_55 = arith.mulf %sub3A_54, %tanh3A : vector<2048x128xf32>
    %mul3A_56 = arith.mulf %mul3A_55, %mul3A_55 : vector<2048x128xf32>
    %reduce_sum3A = arith.constant dense<0.000000e+00> : vector<2048xf32>
    %reduce_sum3A_57 = vector.multi_reduction <add>, %mul3A_56, %reduce_sum3A [1] : vector<2048x128xf32> to vector<2048xf32>
    %broadcast_in_dim3A = vector.shape_cast %reduce_sum3A_57 : vector<2048xf32> to vector<2048x1xf32>
    %max3A = arith.constant 9.99999996E-13 : f32
    %max3A_58 = vector.broadcast %max3A : f32 to vector<2048x1xf32>
    %max3A_59 = arith.maximumf %broadcast_in_dim3A, %max3A_58 : vector<2048x1xf32>
    %rsqrt3A = math.rsqrt %max3A_59 : vector<2048x1xf32>
    %mul3A_60 = vector.broadcast %rsqrt3A : vector<2048x1xf32> to vector<2048x128xf32>
    %mul3A_61 = arith.mulf %mul3A_55, %mul3A_60 : vector<2048x128xf32>
    %mul3A_62 = arith.constant 2048 : i32
    %mul3A_63 = arith.muli %arg0, %mul3A_62 : i32
    %iota3A = tpu.iota {dimensions = array<i32: 0>} : vector<2048x1xi32>
    %add3A_64 = vector.broadcast %mul3A_63 : i32 to vector<2048x1xi32>
    %add3A_65 = arith.addi %add3A_64, %iota3A : vector<2048x1xi32>
    %lt3A = arith.constant 10000 : i32
    %lt3A_66 = vector.broadcast %lt3A : i32 to vector<2048x1xi32>
    %lt3A_67 = arith.cmpi slt, %add3A_65, %lt3A_66 : vector<2048x1xi32>
    %jit3A = arith.constant 0.000000e+00 : f32
    %broadcast_in_dim3A_68 = vector.shape_cast %lt3A_67 : vector<2048x1xi1> to vector<2048x1xi1>
    %broadcast_in_dim3A_69 = vector.broadcast %broadcast_in_dim3A_68 : vector<2048x1xi1> to vector<2048x128xi1>
    %broadcast_in_dim3A_70 = vector.broadcast %jit3A : f32 to vector<2048x128xf32>
    %select_n3A = arith.select %broadcast_in_dim3A_69, %mul3A_61, %broadcast_in_dim3A_70 : vector<2048x128xi1>, vector<2048x128xf32>
    %swap3A = arith.constant 0 : index
    %swap3A_71 = arith.constant 0 : index
    %swap3A_72 = vector.load %arg6[%swap3A, %swap3A_71] : memref<2048x128xf32, #tpu.memory_space<vmem>>, vector<2048x128xf32>
    tpu.vector_store %arg6[%swap3A, %swap3A_71], %select_n3A {strides = array<i32>} : memref<2048x128xf32, #tpu.memory_space<vmem>>, vector<2048x128xf32>,
    return
  }
  func.func @transform_0(%arg0: i32) -> (i32, i32, i32) {
    %c0_i32 = arith.constant 0 : i32
    %c0_i32_0 = arith.constant 0 : i32
    %c0_i32_1 = arith.constant 0 : i32
    return %c0_i32, %arg0, %c0_i32_0 : i32, i32, i32
  }
  func.func @transform_1(%arg0: i32) -> (i32, i32) {
    %c0_i32 = arith.constant 0 : i32
    %c0_i32_0 = arith.constant 0 : i32
    %c0_i32_1 = arith.constant 0 : i32
    return %c0_i32, %c0_i32_0 : i32, i32
  }
  func.func @transform_2(%arg0: i32) -> (i32, i32) {
    %c0_i32 = arith.constant 0 : i32
    %c0_i32_0 = arith.constant 0 : i32
    %c0_i32_1 = arith.constant 0 : i32
    return %c0_i32, %c0_i32_0 : i32, i32
  }
  func.func @transform_3(%arg0: i32) -> (i32, i32) {
    %c0_i32 = arith.constant 0 : i32
    %c0_i32_0 = arith.constant 0 : i32
    %c0_i32_1 = arith.constant 0 : i32
    return %c0_i32, %c0_i32_0 : i32, i32
  }
  func.func @transform_4(%arg0: i32) -> (i32, i32) {
    %c0_i32 = arith.constant 0 : i32
    %c0_i32_0 = arith.constant 0 : i32
    %c0_i32_1 = arith.constant 0 : i32
    return %c0_i32, %c0_i32_0 : i32, i32
  }
  func.func @transform_5(%arg0: i32) -> (i32, i32) {
    %c0_i32 = arith.constant 0 : i32
    %c0_i32_0 = arith.constant 0 : i32
    return %arg0, %c0_i32 : i32, i32
  }
}

</mosaic_0001>

<sc_bundles>
// kernel: kernel.12.cloned.1.call-start
scs
__scs_entry_jumppad:
0x0: {  	(pc) =	sbr.rel $0x88, $3  }
0x1: {  	(tag) =	ssettag $0x0;
	lr =	simm.s32 $0x1  }
0x2: {  	[smem:$0x3F9B] =	sst lr;
	_ =	strace $0xD0000000  }
0x3: {  	_ = 	snop  }
0x4: {  	_ = 	snop  }
0x5: {  	_ = 	snop  }
0x6: {  	_ = 	snop  }
0x7: {  	_ = 	snop  }
__scs_overlays_trampoline_lowered:
0x8: {  	[smem:$0x3FAA] =	sst s0  }
0x9: {  	[smem:$0x3FAB] =	sst s1  }
0xa: {  	[smem:$0x3FAC] =	sst s2  }
0xb: {  	[smem:$0x3FAD] =	sst s3  }
0xc: {  	[smem:$0x3FAE] =	sst s4  }
0xd: {  	[smem:$0x3FAF] =	sst s5  }
0xe: {  	[smem:$0x3FB0] =	sst s6  }
0xf: {  	[smem:$0x3FB1] =	sst s7  }
0x10: {  	[smem:$0x3FB2] =	sst s8  }
0x11: {  	[smem:$0x3FB3] =	sst s9;
	s0 =	simm.s32 @!p0 $0x0  }
0x12: {  	s1 =	sld [smem:$0x3F99];
	s0 =	simm.s32 @p0 $0x1  }
0x13: {  	[smem:$0x3FB4] =	sst s0;
	s0 =	simm.s32 @!p1 $0x0  }
0x14: {  	s2 =	sld [smem:$0x3F98];
	s0 =	simm.s32 @p1 $0x1  }
0x15: {  	[smem:$0x3FB5] =	sst s0;
	s0 =	simm.s32 @!p2 $0x0  }
0x16: {  	s3 =	sld [smem:$0x3FDB];
	s0 =	simm.s32 @p2 $0x1  }
0x17: {  	s4 =	simm.s32 $0x1BF5;
	[smem:$0x3FB7] =	sst s0  }
0x18: {  	s0 =	sld [smem:$0x3F9A];
	_ =	swait.ge [sflag:s4], $0x0  }
0x19: {  	s7 =	sld [smem:$0x3F9B]  }
0x1a: {  	s8 =	sadd.s32 $0xFFFFE003, lr  }
0x1b: {  	s9 =	sadd.s32 $0xFFFFFEF7, lr;
	s5 =	simm.s32 $0xFFFFFFFF;
	p2 =	slt.u32 s8, $0xFFFFF086  }
0x1c: {  	p1 =	slt.u32 s9, $0xF7A;
	s5 =	simm.s32 @!p2 $0x0  }
0x1d: {  	s5 =	simm.s32 @p1 $0x1;
	p0 =	seq.s32 s7, s2  }
0x1e: {  	s7 =	smul.u32 @!p0 $0xF7A, s2;
	p2 =	seq.s32 @!p0 s5, $0x0  }
0x1f: {  	s9 =	smul.u32 $0xF7A, s1;
	s8 =	simm.s32 @!p0 $0x1BF5;
	p2 =	por !p2, p0  }
0x20: {  	[sflag:s8] =	ssyncset.s32 @!p0 $0xFFFFF086;
	s6 =	sadd.s32 @!p0 s3, s7;
	s7 =	simm.s32 @!p0 $0x108  }
0x21: {  	s3 =	sadd.s32 s3, s9;
	s6 =	sadd.s32 @!p0 $0x88, s6;
	s7 =	simm.s32 @p2 $0x1082  }
0x22: {  	[simem:s7], [sflag:s8] =	dma.local @!p0 [hbm:s6], $0xF7A  }
0x23: {  	s9 =	sor.u32 $0xD0000000, s2;
	s6 =	simm.s32 $0x108;
	_ =	swait.ge @!p0 [sflag:s8], $0x0  }
0x24: {  	s3 =	sadd.s32 $0x88, s3;
	s6 =	simm.s32 @!p1 $0x1082;
	[sflag:s4] =	ssyncset.s32 $0xFFFFF086  }
0x25: {  	[simem:s6], [sflag:s4] =	dma.local [hbm:s3], $0xF7A  }
0x26: {  	[smem:$0x3F9B] =	sst s1;
	(tag) =	ssettag s2;
	_ =	strace s9  }
0x27: {  	s1 =	sld [smem:$0x3FAB]  }
0x28: {  	s2 =	sld [smem:$0x3FAC]  }
0x29: {  	s4 =	sld [smem:$0x3FAE]  }
0x2a: {  	p0 =	seq.s32 s5, $0x0;
	s5 =	sld [smem:$0x3FAF]  }
0x2b: {  	s6 =	sld [smem:$0x3FB0]  }
0x2c: {  	s7 =	sld [smem:$0x3FB1]  }
0x2d: {  	s3 =	simm.s32 $0x108;
	s8 =	sld [smem:$0x3FB2]  }
0x2e: {  	s3 =	simm.s32 @!p0 $0x1082;
	s9 =	sld [smem:$0x3FB3]  }
0x2f: {  	lr =	sadd.s32 s0, s3;
	s0 =	sld [smem:$0x3FAA]  }
0x30: {  	s3 =	sld [smem:$0x3FAD]  }
0x31: {  	[smem:$0x3FB6] =	sst s10  }
0x32: {  	s10 =	sld [smem:$0x3FB4];
	_ =	sdelay $0x3  }
0x33: {  	p0 =	seq.s32 s10, $0x1;
	s10 =	sld [smem:$0x3FB6];
	_ =	sdelay $0x3  }
0x34: {  	[smem:$0x3FB6] =	sst s10  }
0x35: {  	s10 =	sld [smem:$0x3FB5];
	_ =	sdelay $0x3  }
0x36: {  	p1 =	seq.s32 s10, $0x1;
	s10 =	sld [smem:$0x3FB6];
	_ =	sdelay $0x3  }
0x37: {  	[smem:$0x3FB6] =	sst s10  }
0x38: {  	s10 =	sld [smem:$0x3FB7]  }
0x39: {  	_ = 	snop;
	(pc) =	sbr.ind lr, $3  }
0x3a: {  	_ = 	snop  }
0x3b: {  	_ = 	snop  }
0x3c: {  	p2 =	seq.s32 s10, $0x1;
	s10 =	sld [smem:$0x3FB6]  }
0x3d: {  	_ =	shalt  }
0x3e: {  	_ =	shalt  }
0x3f: {  	_ =	shalt  }
0x40: {  	_ =	shalt  }
0x41: {  	_ =	shalt  }
0x42: {  	_ =	shalt  }
0x43: {  	_ =	shalt  }
0x44: {  	_ =	shalt  }
0x45: {  	_ =	shalt  }
0x46: {  	_ =	shalt  }
0x47: {  	_ =	shalt  }
0x48: {  	_ =	shalt  }
0x49: {  	_ =	shalt  }
0x4a: {  	_ =	shalt  }
0x4b: {  	_ =	shalt  }
0x4c: {  	_ =	shalt  }
0x4d: {  	_ =	shalt  }
0x4e: {  	_ =	shalt  }
0x4f: {  	_ =	shalt  }
0x50: {  	_ =	shalt  }
0x51: {  	_ =	shalt  }
0x52: {  	_ =	shalt  }
0x53: {  	_ =	shalt  }
0x54: {  	_ =	shalt  }
0x55: {  	_ =	shalt  }
0x56: {  	_ =	shalt  }
0x57: {  	_ =	shalt  }
0x58: {  	_ =	shalt  }
0x59: {  	_ =	shalt  }
0x5a: {  	_ =	shalt  }
0x5b: {  	_ =	shalt  }
0x5c: {  	_ =	shalt  }
0x5d: {  	_ =	shalt  }
0x5e: {  	_ =	shalt  }
0x5f: {  	_ =	shalt  }
0x60: {  	_ =	shalt  }
0x61: {  	_ =	shalt  }
0x62: {  	_ =	shalt  }
0x63: {  	_ =	shalt  }
0x64: {  	_ =	shalt  }
0x65: {  	_ =	shalt  }
0x66: {  	_ =	shalt  }
0x67: {  	_ =	shalt  }
0x68: {  	_ =	shalt  }
0x69: {  	_ =	shalt  }
0x6a: {  	_ =	shalt  }
0x6b: {  	_ =	shalt  }
0x6c: {  	_ =	shalt  }
0x6d: {  	_ =	shalt  }
0x6e: {  	_ =	shalt  }
0x6f: {  	_ =	shalt  }
0x70: {  	_ =	shalt  }
0x71: {  	_ =	shalt  }
0x72: {  	_ =	shalt  }
0x73: {  	_ =	shalt  }
0x74: {  	_ =	shalt  }
0x75: {  	_ =	shalt  }
0x76: {  	_ =	shalt  }
0x77: {  	_ =	shalt  }
0x78: {  	_ =	shalt  }
0x79: {  	_ =	shalt  }
0x7a: {  	_ =	shalt  }
0x7b: {  	_ =	shalt  }
0x7c: {  	_ =	shalt  }
0x7d: {  	_ =	shalt  }
0x7e: {  	_ =	shalt  }
0x7f: {  	_ =	shalt  }
0x80: {  	_ =	shalt  }
0x81: {  	_ =	shalt  }
0x82: {  	_ =	shalt  }
0x83: {  	_ =	shalt  }
0x84: {  	_ =	shalt  }
0x85: {  	_ =	shalt  }
0x86: {  	_ =	shalt  }
0x87: {  	_ =	shalt  }
.Lfunc_end0:
.L_simem_size_0:
called_computation_lowered:
.L_overlay_start_0:
0x88: {  	s2 =	sld [smem:$0x3FD9]  }
0x89: {  	s3 =	sld [smem:$0x3FFE];
	_ =	sdelay $0x1  }
0x8a: {  	s1 =	srdreg.scid  }
0x8b: {  	s0 =	sand.u32 $0x1, s1  }
0x8c: {  	s17 =	sshll.u32 s0, $0xA;
	s2 =	sadd.s32 s3, s2  }
0x8d: {  	s2 =	sadd.s32 s2, s17  }
0x8e: {  	[smem:$0x3FC2] =	sst s2  }
0x8f: {  	_ = 	snop  }
0x90: {  	s2 =	sld [smem:$0x3FD0];
	(tm) =	ssettm $0x1  }
0x91: {  	s18 =	sld [smem:$0x3FFB];
	_ =	sdelay $0x3  }
0x92: {  	_ =	strace s18  }
0x93: {  	s3 =	sld [smem:$0x3FFC];
	_ =	sdelay $0x3  }
0x94: {  	_ =	strace s3  }
0x95: {  	s3 =	sld [smem:$0x3FFD];
	_ =	sdelay $0x3  }
0x96: {  	_ =	strace s3  }
0x97: {  	_ =	strace $0x8FFFFFFF  }
0x98: {  	s19 =	sld [smem:$0x3FDB];
	_ =	sdelay $0x1  }
0x99: {  	s4 =	simm.s32 $_scs_section_size  }
0x9a: {  	s5 =	simm.s32 $_size__tile_overlayer_lowered;
	s6 =	simm.s32 $_tile_overlayer_lowered  }
0x9b: {  	s22 =	simm.s32 $0x1BFF;
	s21 =	sshll.u32 s6, $0x1;
	s3 =	sadd.s32 s4, s19  }
0x9c: {  	s7 =	simm.s32 $0x0;
	s20 =	sshll.u32 s5, $0x1;
	s5 =	sadd.s32 s21, s3  }
0x9d: {  	[timem:s7], [sflag:s22] =	dma.local [hbm:s5], s20  }
0x9e: {  	_ =	swait.ge [sflag:s22], s20  }
0x9f: {  	s4 =	ssub.s32 $0x0, s20;
	[sflag:s22] =	ssyncset.done $0x0  }
0xa0: {  	[sflag:s22] =	ssyncadd.s32 s4;
	_ =	sdelay $0x1  }
0xa1: {  	s23 =	simm.s32 $0x1B8B  }
0xa2: {  	_ =	swait.ge [sflag:s23], $0x1  }
0xa3: {  	[sflag:s23] =	ssyncset.done $0x0  }
0xa4: {  	s25 =	simm.s32 $0x1B8E;
	s24 =	sld [smem:$0x3FFE];
	[sflag:s23] =	ssyncadd.s32 $0xFFFFFFFF  }
0xa5: {  	s26 =	simm.s32 $execute0_lowered;
	[smem:$0x3FD2] =	sst s25  }
0xa6: {  	s5 =	sshll.u32 s26, $0x1;
	_ =	strace $0x80000046;
	[dreg:$0x1] =	wrdreg $0xFFFFFFFF  }
0xa7: {  	s28 =	simm.s32 $_size_execute0_lowered;
	s3 =	sadd.s32 s3, s5;
	[dreg:$0x0] =	wrdreg $0x0  }
0xa8: {  	s5 =	sshll.u32 s28, $0x1;
	[dreg:$0x2] =	wrdreg s3  }
0xa9: {  	[dreg:$0x3] =	wrdreg s5  }
0xaa: {  	[dreg:$0x4] =	wrdreg $0xC0  }
0xab: {  	_ =	task [dreg:s7], $0x5FFFF  }
0xac: {  	[dreg:$0x1] =	wrdreg $0xFFFFFFFF  }
0xad: {  	[dreg:$0x0] =	wrdreg $0x60  }
0xae: {  	[dreg:$0x2] =	wrdreg s24  }
0xaf: {  	[dreg:$0x3] =	wrdreg s2  }
0xb0: {  	[dreg:$0x4] =	wrdreg $0x0  }
0xb1: {  	[dreg:$0x5] =	wrdreg $0x9  }
0xb2: {  	_ =	task.clear_ibuf [dreg:s7], $0x6FFFF;
	_ =	strace $0x90000046  }
0xb3: {  	s29 =	simm.s32 $0x9;
	_ =	strace $0x80000048  }
0xb4: {  	_ =	swait.ge [sflag:s29], $0x1  }
0xb5: {  	[sflag:s29] =	ssyncadd.s32 $0xFFFFFFFF  }
0xb6: {  	_ =	strace $0x90000048  }
0xb7: {  	_ =	sfence  }
0xb8: {  	s30 =	sld [smem:$0x0];
	_ =	sdelay $0x2  }
0xb9: {  	s31 =	sshll.u32 s1, $0xD;
	s1 =	sshrl.u32 s1, $0x2  }
0xba: {  	s3 =	sand.u32 $0x4000, s31;
	s1 =	sadd.s32 s1, s30  }
0xbb: {  	s0 =	sor.u32 s3, s0;
	s1 =	sshll.u32 s1, $0x11  }
0xbc: {  	s0 =	sor.u32 s1, s0  }
0xbd: {  	s0 =	sadd.s32 $0x8F2B, s0  }
0xbe: {  	[sflag:s0] =	ssyncadd.remote.s32 $0x1  }
0xbf: {  	_ =	sfence.sel $0xFFFF  }
0xc0: {  	[dreg:$0x0] =	wrdreg $0xFFFFFFFF;
	(pc) =	sbr.abs _section_cstart, $3  }
0xc1: {  	[dreg:$0x1] =	wrdreg $0xFFFFFFFF  }
0xc2: {  	_ =	task.clear_ibuf [dreg:s7], $0x2FFFF;
	_ =	strace $0x9FFFFFFF  }
0xc3: {  	(tm) =	ssettm $0x7FFFFFFF  }
tec
execute0_lowered:
.L_overlay_start_1:
0x0: {  	(tag) =	ssettag $0x1  }
0x1: {  	s5 =	rddreg [dreg:$0x0]  }
0x2: {  	s9 =	rddreg [dreg:$0x1]  }
0x3: {  	s0 =	srdreg.scid;
	s2 =	rddreg [dreg:$0x2]  }
0x4: {  	s3 =	simm.s32 $0x0;
	s14 =	simm.s32 $0x16800;
	s15 =	simm.s32 $0x80  }
0x5: {  	s16 =	simm.s32 $0x19000;
	s4 =	sand.u32 $0x1, s0;
	s0 =	stileid.u32  }
0x6: {  	s17 =	simm.s32 $0x1;
	s18 =	simm.s32 $0x0;
	s7 =	smul.u32 $0x50000, s0  }
0x7: {  	[smem:$0x7FF] =	sst s3;
	s1 =	sshll.u32 s4, $0x4;
	s10 =	smul.u32 $0x140000, s4  }
0x8: {  	s8 =	ssub.s32 $0x2, s4;
	s4 =	sadd.s32 $0x18E00, s5;
	s12 =	smul.u32 $0x14000, s0  }
0x9: {  	s29 =	sshll.u32 s0, $0x6;
	s6 =	sor.u32 s0, s1;
	s1 =	rddreg [dreg:$0x3]  }
0xa: {  	_ =	strace $0x80000047;
	s11 =	sshrl.u32 s8, $0x1;
	s6 =	smul.u32 $0x500, s6  }
0xb: {  	s11 =	ssub.s32 s8, s11;
	s28 =	sshrl.u32 s7, $0x2;
	s30 =	sadd.s32 s12, s10  }
0xc: {  	s12 =	simm.s32 $0x2;
	s31 =	sadd.s32 s28, s2;
	s10 =	sshrl.u32 s30, $0x3  }
0xd: {  	s13 =	sadd.s32 s6, s5;
	s5 =	sadd.s32 $0x40E00, s5;
	s6 =	sor.u32 $0x1C02, s29  }
0xe: {  	s9 =	sadd.s32 s9, s10;
	s10 =	smax.u32 s11, $0x1;
	s11 =	sshrl.u32 s31, $0x3  }
0xf: {  	s7 =	sadd.s32 $0x4E00, s13;
	s8 =	sadd.s32 $0xEE00, s13;
	s13 =	simm.s32 $0x14000  }
.LBB2_1:
0x10: {  	[spmem:s11], [sflag:s6] =	dma.local [hbm:s5], $0x2800  }
0x11: {  	_ =	swait.ge [sflag:s12], $0x2800  }
0x12: {  	[sflag:s12] =	ssyncset.done $0x0  }
0x13: {  	[sflag:s12] =	ssyncadd.s32 $0xFFFFD800  }
0x14: {  	[tilespmem:s13], [sflag:$0x2] =	stream.linear.gather [hbm4b:s7+s3], $0x2780, $0x38;
	[tilespmem:$0x1D000] =	vst v63  }
0x15: {  	_ =	swait.ge [sflag:s12], $0x2780  }
0x16: {  	[sflag:s12] =	ssyncset.done $0x0  }
0x17: {  	[sflag:s12] =	ssyncadd.s32 $0xFFFFD880  }
0x18: {  	[tilespmem:s14], [sflag:$0x2] =	stream.linear.gather [hbm4b:s8+s3], $0x2780, $0x38;
	[tilespmem:$0x1D000] =	vst v63  }
0x19: {  	_ =	swait.ge [sflag:s12], $0x2780  }
0x1a: {  	[sflag:s12] =	ssyncset.done $0x0  }
0x1b: {  	[sflag:s12] =	ssyncadd.s32 $0xFFFFD880  }
0x1c: {  	s19 =	simm.s32 $0x14000;
	[bflag:$0x0] =	sbarrier.arrive $0xFFFF  }
0x1d: {  	[tilespmem:s16], [sflag:$0x1] =	stream.indirect.gather [hbm4b:s4+s15], $0x80, s19, s15, $0xb8;
	[tilespmem:$0x1D000] =	vst v63  }
0x1e: {  	_ =	swait.ge [sflag:s17], $0x4000  }
0x1f: {  	[sflag:s17] =	ssyncset.done $0x0  }
0x20: {  	s31 =	simm.s32 $0x16800;
	[sflag:s17] =	ssyncadd.s32 $0xFFFFC000  }
0x21: {  	[spmem:s2] =	stream.indirect.scatter.add.f32 [tilespmem:s16], [sflag:$0x2], $0x80, s31, s15, $0xb8;
	[tilespmem:$0x1D000] =	vst v63  }
0x22: {  	_ =	swait.ge [sflag:s12], $0x4000  }
0x23: {  	s20 =	simm.s32 $0x400;
	s19 =	simm.s32 $0x80;
	[sflag:s12] =	ssyncset.done $0x0  }
.LBB2_2:
0x24: {  	s21 =	sadd.s32 $0x14000, s19  }
0x25: {  	[sflag:s12] =	ssyncadd.s32 $0xFFFFC000;
	s22 =	smov.u32 s20;
	s23 =	sadd.s32 $0x200, s20  }
0x26: {  	[tilespmem:s16], [sflag:$0x1] =	stream.indirect.gather [hbm4b:s4+s15], $0x80, s21, s15, $0xb8;
	[tilespmem:$0x1D000] =	vst v63  }
0x27: {  	p0 =	sne.s32 s20, $0x9C00;
	_ =	swait.ge [sflag:s17], $0x4000  }
.Ltmp0:
0x28: {  	[sflag:s17] =	ssyncset.done $0x0;
	(pc) =	sbr.rel @p0 .LBB2_2-.Ltmp0, $4  }
0x29: {  	s19 =	sadd.s32 $0x16800, s19;
	[sflag:s17] =	ssyncadd.s32 $0xFFFFC000  }
0x2a: {  	[spmem:s2] =	stream.indirect.scatter.add.f32 [tilespmem:s16], [sflag:$0x2], $0x80, s19, s15, $0xb8;
	[tilespmem:$0x1D000] =	vst v63  }
0x2b: {  	_ =	swait.ge [sflag:s12], $0x4000  }
0x2c: {  	s20 =	smov.u32 s23;
	s19 =	sshra.s32 s22, $0x2;
	[sflag:s12] =	ssyncset.done $0x0  }
0x2d: {  	s20 =	sadd.s32 $0x14000, s19;
	[sflag:s12] =	ssyncadd.s32 $0xFFFFC000  }
0x2e: {  	[tilespmem:s16], [sflag:$0x1] =	stream.indirect.gather [hbm4b:s4+s15], $0x80, s20, s15, $0xb8;
	[tilespmem:$0x1D000] =	vst v63  }
0x2f: {  	_ =	swait.ge [sflag:s17], $0x4000  }
0x30: {  	[sflag:s17] =	ssyncset.done $0x0  }
0x31: {  	s31 =	sadd.s32 $0x16800, s19;
	[sflag:s17] =	ssyncadd.s32 $0xFFFFC000  }
0x32: {  	[spmem:s2] =	stream.indirect.scatter.add.f32 [tilespmem:s16], [sflag:$0x2], $0x80, s31, s15, $0xb8;
	[tilespmem:$0x1D000] =	vst v63  }
0x33: {  	_ =	swait.ge [sflag:s12], $0x4000  }
0x34: {  	s18 =	sadd.s32 $0x1, s18;
	[sflag:s12] =	ssyncset.done $0x0  }
0x35: {  	p0 =	sne.s32 s18, s10;
	[sflag:s12] =	ssyncadd.s32 $0xFFFFC000  }
.Ltmp1:
0x36: {  	[bflag:$0x0] =	sbarrier.arrive $0xFFFF;
	(pc) =	sbr.rel @p0 .LBB2_1-.Ltmp1, $4  }
0x37: {  	[hbm:s9], [sflag:s6] =	dma.local [spmem:s11], $0x2800  }
0x38: {  	_ =	swait.ge [sflag:s12], $0x2800  }
0x39: {  	[sflag:s12] =	ssyncset.done $0x0  }
0x3a: {  	[sflag:s12] =	ssyncadd.s32 $0xFFFFD800  }
0x3b: {  	_ =	sfence.sel $0x180000  }
0x3c: {  	[bflag:$0x0] =	sbarrier.arrive $0xFFFF  }
0x3d: {  	p0 =	sne.s32 s0, $0x0;
	_ =	strace $0x90000047  }
0x3e: {  	s0 =	sadd.s32 @!p0 $0x100000, s1;
	[bflag:$0x2] =	sbarrier.arrive $0xFFFF  }
0x3f: {  	[sflag:s0] =	ssyncadd.tile.s32 @!p0 $0x1;
	_ =	shalt  }
.Lfunc_end2:
_tile_overlayer_lowered:
.L_overlay_start_2:
0x40: {  	(tag) =	ssettag $0x2  }
0x41: {  	s0 =	rddreg [dreg:$0x0];
	s2 =	stileid.u32  }
0x42: {  	s1 =	rddreg [dreg:$0x1];
	p0 =	sne.s32 s2, $0x0  }
0x43: {  	s3 =	rddreg [dreg:$0x2];
	[bflag:$0x3] =	sbarrier.arrive $0xFFFF;
	s2 =	simm.s32 @!p0 $0x1C02  }
0x44: {  	[timem:s3], [sflag:s2] =	dma.local @!p0 [hbm:s0], s1  }
0x45: {  	s0 =	simm.s32 @!p0 $0x2  }
0x46: {  	_ =	swait.ge @!p0 [sflag:s0], s1  }
0x47: {  	s1 =	ssub.s32 @!p0 $0x0, s1;
	[sflag:s0] =	ssyncset.done @!p0 $0x0  }
0x48: {  	[sflag:s0] =	ssyncadd.s32 @!p0 s1  }
0x49: {  	[bflag:$0x3] =	sbarrier.arrive $0xFFFF  }
0x4a: {  	_ =	shalt  }

// kernel: kernel.15.cloned.1.call-start
scs
__scs_entry_jumppad:
0x0: {  	(pc) =	sbr.rel $0x88, $3  }
0x1: {  	(tag) =	ssettag $0x0;
	lr =	simm.s32 $0x1  }
0x2: {  	[smem:$0x3F9B] =	sst lr;
	_ =	strace $0xD0000000  }
0x3: {  	_ = 	snop  }
0x4: {  	_ = 	snop  }
0x5: {  	_ = 	snop  }
0x6: {  	_ = 	snop  }
0x7: {  	_ = 	snop  }
__scs_overlays_trampoline_lowered:
0x8: {  	[smem:$0x3FAA] =	sst s0  }
0x9: {  	[smem:$0x3FAB] =	sst s1  }
0xa: {  	[smem:$0x3FAC] =	sst s2  }
0xb: {  	[smem:$0x3FAD] =	sst s3  }
0xc: {  	[smem:$0x3FAE] =	sst s4  }
0xd: {  	[smem:$0x3FAF] =	sst s5  }
0xe: {  	[smem:$0x3FB0] =	sst s6  }
0xf: {  	[smem:$0x3FB1] =	sst s7  }
0x10: {  	[smem:$0x3FB2] =	sst s8  }
0x11: {  	[smem:$0x3FB3] =	sst s9;
	s0 =	simm.s32 @!p0 $0x0  }
0x12: {  	s1 =	sld [smem:$0x3F99];
	s0 =	simm.s32 @p0 $0x1  }
0x13: {  	[smem:$0x3FB4] =	sst s0;
	s0 =	simm.s32 @!p1 $0x0  }
0x14: {  	s2 =	sld [smem:$0x3F98];
	s0 =	simm.s32 @p1 $0x1  }
0x15: {  	[smem:$0x3FB5] =	sst s0;
	s0 =	simm.s32 @!p2 $0x0  }
0x16: {  	s3 =	sld [smem:$0x3FDB];
	s0 =	simm.s32 @p2 $0x1  }
0x17: {  	s4 =	simm.s32 $0x1BF5;
	[smem:$0x3FB7] =	sst s0  }
0x18: {  	s0 =	sld [smem:$0x3F9A];
	_ =	swait.ge [sflag:s4], $0x0  }
0x19: {  	s7 =	sld [smem:$0x3F9B]  }
0x1a: {  	s8 =	sadd.s32 $0xFFFFE003, lr  }
0x1b: {  	s9 =	sadd.s32 $0xFFFFFEF7, lr;
	s5 =	simm.s32 $0xFFFFFFFF;
	p2 =	slt.u32 s8, $0xFFFFF086  }
0x1c: {  	p1 =	slt.u32 s9, $0xF7A;
	s5 =	simm.s32 @!p2 $0x0  }
0x1d: {  	s5 =	simm.s32 @p1 $0x1;
	p0 =	seq.s32 s7, s2  }
0x1e: {  	s7 =	smul.u32 @!p0 $0xF7A, s2;
	p2 =	seq.s32 @!p0 s5, $0x0  }
0x1f: {  	s9 =	smul.u32 $0xF7A, s1;
	s8 =	simm.s32 @!p0 $0x1BF5;
	p2 =	por !p2, p0  }
0x20: {  	[sflag:s8] =	ssyncset.s32 @!p0 $0xFFFFF086;
	s6 =	sadd.s32 @!p0 s3, s7;
	s7 =	simm.s32 @!p0 $0x108  }
0x21: {  	s3 =	sadd.s32 s3, s9;
	s6 =	sadd.s32 @!p0 $0x88, s6;
	s7 =	simm.s32 @p2 $0x1082  }
0x22: {  	[simem:s7], [sflag:s8] =	dma.local @!p0 [hbm:s6], $0xF7A  }
0x23: {  	s9 =	sor.u32 $0xD0000000, s2;
	s6 =	simm.s32 $0x108;
	_ =	swait.ge @!p0 [sflag:s8], $0x0  }
0x24: {  	s3 =	sadd.s32 $0x88, s3;
	s6 =	simm.s32 @!p1 $0x1082;
	[sflag:s4] =	ssyncset.s32 $0xFFFFF086  }
0x25: {  	[simem:s6], [sflag:s4] =	dma.local [hbm:s3], $0xF7A  }
0x26: {  	[smem:$0x3F9B] =	sst s1;
	(tag) =	ssettag s2;
	_ =	strace s9  }
0x27: {  	s1 =	sld [smem:$0x3FAB]  }
0x28: {  	s2 =	sld [smem:$0x3FAC]  }
0x29: {  	s4 =	sld [smem:$0x3FAE]  }
0x2a: {  	p0 =	seq.s32 s5, $0x0;
	s5 =	sld [smem:$0x3FAF]  }
0x2b: {  	s6 =	sld [smem:$0x3FB0]  }
0x2c: {  	s7 =	sld [smem:$0x3FB1]  }
0x2d: {  	s3 =	simm.s32 $0x108;
	s8 =	sld [smem:$0x3FB2]  }
0x2e: {  	s3 =	simm.s32 @!p0 $0x1082;
	s9 =	sld [smem:$0x3FB3]  }
0x2f: {  	lr =	sadd.s32 s0, s3;
	s0 =	sld [smem:$0x3FAA]  }
0x30: {  	s3 =	sld [smem:$0x3FAD]  }
0x31: {  	[smem:$0x3FB6] =	sst s10  }
0x32: {  	s10 =	sld [smem:$0x3FB4];
	_ =	sdelay $0x3  }
0x33: {  	p0 =	seq.s32 s10, $0x1;
	s10 =	sld [smem:$0x3FB6];
	_ =	sdelay $0x3  }
0x34: {  	[smem:$0x3FB6] =	sst s10  }
0x35: {  	s10 =	sld [smem:$0x3FB5];
	_ =	sdelay $0x3  }
0x36: {  	p1 =	seq.s32 s10, $0x1;
	s10 =	sld [smem:$0x3FB6];
	_ =	sdelay $0x3  }
0x37: {  	[smem:$0x3FB6] =	sst s10  }
0x38: {  	s10 =	sld [smem:$0x3FB7]  }
0x39: {  	_ = 	snop;
	(pc) =	sbr.ind lr, $3  }
0x3a: {  	_ = 	snop  }
0x3b: {  	_ = 	snop  }
0x3c: {  	p2 =	seq.s32 s10, $0x1;
	s10 =	sld [smem:$0x3FB6]  }
0x3d: {  	_ =	shalt  }
0x3e: {  	_ =	shalt  }
0x3f: {  	_ =	shalt  }
0x40: {  	_ =	shalt  }
0x41: {  	_ =	shalt  }
0x42: {  	_ =	shalt  }
0x43: {  	_ =	shalt  }
0x44: {  	_ =	shalt  }
0x45: {  	_ =	shalt  }
0x46: {  	_ =	shalt  }
0x47: {  	_ =	shalt  }
0x48: {  	_ =	shalt  }
0x49: {  	_ =	shalt  }
0x4a: {  	_ =	shalt  }
0x4b: {  	_ =	shalt  }
0x4c: {  	_ =	shalt  }
0x4d: {  	_ =	shalt  }
0x4e: {  	_ =	shalt  }
0x4f: {  	_ =	shalt  }
0x50: {  	_ =	shalt  }
0x51: {  	_ =	shalt  }
0x52: {  	_ =	shalt  }
0x53: {  	_ =	shalt  }
0x54: {  	_ =	shalt  }
0x55: {  	_ =	shalt  }
0x56: {  	_ =	shalt  }
0x57: {  	_ =	shalt  }
0x58: {  	_ =	shalt  }
0x59: {  	_ =	shalt  }
0x5a: {  	_ =	shalt  }
0x5b: {  	_ =	shalt  }
0x5c: {  	_ =	shalt  }
0x5d: {  	_ =	shalt  }
0x5e: {  	_ =	shalt  }
0x5f: {  	_ =	shalt  }
0x60: {  	_ =	shalt  }
0x61: {  	_ =	shalt  }
0x62: {  	_ =	shalt  }
0x63: {  	_ =	shalt  }
0x64: {  	_ =	shalt  }
0x65: {  	_ =	shalt  }
0x66: {  	_ =	shalt  }
0x67: {  	_ =	shalt  }
0x68: {  	_ =	shalt  }
0x69: {  	_ =	shalt  }
0x6a: {  	_ =	shalt  }
0x6b: {  	_ =	shalt  }
0x6c: {  	_ =	shalt  }
0x6d: {  	_ =	shalt  }
0x6e: {  	_ =	shalt  }
0x6f: {  	_ =	shalt  }
0x70: {  	_ =	shalt  }
0x71: {  	_ =	shalt  }
0x72: {  	_ =	shalt  }
0x73: {  	_ =	shalt  }
0x74: {  	_ =	shalt  }
0x75: {  	_ =	shalt  }
0x76: {  	_ =	shalt  }
0x77: {  	_ =	shalt  }
0x78: {  	_ =	shalt  }
0x79: {  	_ =	shalt  }
0x7a: {  	_ =	shalt  }
0x7b: {  	_ =	shalt  }
0x7c: {  	_ =	shalt  }
0x7d: {  	_ =	shalt  }
0x7e: {  	_ =	shalt  }
0x7f: {  	_ =	shalt  }
0x80: {  	_ =	shalt  }
0x81: {  	_ =	shalt  }
0x82: {  	_ =	shalt  }
0x83: {  	_ =	shalt  }
0x84: {  	_ =	shalt  }
0x85: {  	_ =	shalt  }
0x86: {  	_ =	shalt  }
0x87: {  	_ =	shalt  }
.Lfunc_end0:
.L_simem_size_0:
called_computation.1_lowered:
.L_overlay_start_0:
0x88: {  	s2 =	sld [smem:$0x3FD9]  }
0x89: {  	s3 =	sld [smem:$0x3FFE];
	_ =	sdelay $0x1  }
0x8a: {  	s1 =	srdreg.scid  }
0x8b: {  	s0 =	sand.u32 $0x1, s1  }
0x8c: {  	s17 =	sshll.u32 s0, $0xA;
	s2 =	sadd.s32 s3, s2  }
0x8d: {  	s2 =	sadd.s32 s2, s17  }
0x8e: {  	[smem:$0x3FC2] =	sst s2  }
0x8f: {  	_ = 	snop  }
0x90: {  	s2 =	sld [smem:$0x3FD0];
	(tm) =	ssettm $0x1  }
0x91: {  	s18 =	sld [smem:$0x3FFB];
	_ =	sdelay $0x3  }
0x92: {  	_ =	strace s18  }
0x93: {  	s3 =	sld [smem:$0x3FFC];
	_ =	sdelay $0x3  }
0x94: {  	_ =	strace s3  }
0x95: {  	s3 =	sld [smem:$0x3FFD];
	_ =	sdelay $0x3  }
0x96: {  	_ =	strace s3  }
0x97: {  	_ =	strace $0x8FFFFFFF  }
0x98: {  	s19 =	sld [smem:$0x3FDB];
	_ =	sdelay $0x1  }
0x99: {  	s4 =	simm.s32 $_scs_section_size  }
0x9a: {  	s5 =	simm.s32 $_size__tile_overlayer_lowered;
	s6 =	simm.s32 $_tile_overlayer_lowered  }
0x9b: {  	s22 =	simm.s32 $0x1BFF;
	s21 =	sshll.u32 s6, $0x1;
	s3 =	sadd.s32 s4, s19  }
0x9c: {  	s7 =	simm.s32 $0x0;
	s20 =	sshll.u32 s5, $0x1;
	s5 =	sadd.s32 s21, s3  }
0x9d: {  	[timem:s7], [sflag:s22] =	dma.local [hbm:s5], s20  }
0x9e: {  	_ =	swait.ge [sflag:s22], s20  }
0x9f: {  	s4 =	ssub.s32 $0x0, s20;
	[sflag:s22] =	ssyncset.done $0x0  }
0xa0: {  	[sflag:s22] =	ssyncadd.s32 s4;
	_ =	sdelay $0x1  }
0xa1: {  	s23 =	simm.s32 $0x1B8B  }
0xa2: {  	_ =	swait.ge [sflag:s23], $0x1  }
0xa3: {  	[sflag:s23] =	ssyncset.done $0x0  }
0xa4: {  	s25 =	simm.s32 $0x1B8E;
	s24 =	sld [smem:$0x3FFE];
	[sflag:s23] =	ssyncadd.s32 $0xFFFFFFFF  }
0xa5: {  	s26 =	simm.s32 $execute0_lowered;
	[smem:$0x3FD2] =	sst s25  }
0xa6: {  	s5 =	sshll.u32 s26, $0x1;
	_ =	strace $0x80000049;
	[dreg:$0x1] =	wrdreg $0xFFFFFFFF  }
0xa7: {  	s28 =	simm.s32 $_size_execute0_lowered;
	s3 =	sadd.s32 s3, s5;
	[dreg:$0x0] =	wrdreg $0x0  }
0xa8: {  	s5 =	sshll.u32 s28, $0x1;
	[dreg:$0x2] =	wrdreg s3  }
0xa9: {  	[dreg:$0x3] =	wrdreg s5  }
0xaa: {  	[dreg:$0x4] =	wrdreg $0xC0  }
0xab: {  	_ =	task [dreg:s7], $0x5FFFF  }
0xac: {  	[dreg:$0x1] =	wrdreg $0xFFFFFFFF  }
0xad: {  	[dreg:$0x0] =	wrdreg $0x60  }
0xae: {  	[dreg:$0x2] =	wrdreg s24  }
0xaf: {  	[dreg:$0x3] =	wrdreg s2  }
0xb0: {  	[dreg:$0x4] =	wrdreg $0x0  }
0xb1: {  	[dreg:$0x5] =	wrdreg $0x9  }
0xb2: {  	_ =	task.clear_ibuf [dreg:s7], $0x6FFFF;
	_ =	strace $0x90000049  }
0xb3: {  	s29 =	simm.s32 $0x9;
	_ =	strace $0x8000004B  }
0xb4: {  	_ =	swait.ge [sflag:s29], $0x1  }
0xb5: {  	[sflag:s29] =	ssyncadd.s32 $0xFFFFFFFF  }
0xb6: {  	_ =	strace $0x9000004B  }
0xb7: {  	_ =	sfence  }
0xb8: {  	s30 =	sld [smem:$0x0];
	_ =	sdelay $0x2  }
0xb9: {  	s31 =	sshll.u32 s1, $0xD;
	s1 =	sshrl.u32 s1, $0x2  }
0xba: {  	s3 =	sand.u32 $0x4000, s31;
	s1 =	sadd.s32 s1, s30  }
0xbb: {  	s0 =	sor.u32 s3, s0;
	s1 =	sshll.u32 s1, $0x11  }
0xbc: {  	s0 =	sor.u32 s1, s0  }
0xbd: {  	s0 =	sadd.s32 $0x8F2B, s0  }
0xbe: {  	[sflag:s0] =	ssyncadd.remote.s32 $0x1  }
0xbf: {  	_ =	sfence.sel $0xFFFF  }
0xc0: {  	[dreg:$0x0] =	wrdreg $0xFFFFFFFF;
	(pc) =	sbr.abs _section_cstart, $3  }
0xc1: {  	[dreg:$0x1] =	wrdreg $0xFFFFFFFF  }
0xc2: {  	_ =	task.clear_ibuf [dreg:s7], $0x2FFFF;
	_ =	strace $0x9FFFFFFF  }
0xc3: {  	(tm) =	ssettm $0x7FFFFFFF  }
tec
execute0_lowered:
.L_overlay_start_1:
0x0: {  	(tag) =	ssettag $0x1  }
0x1: {  	s5 =	rddreg [dreg:$0x0]  }
0x2: {  	s9 =	rddreg [dreg:$0x1]  }
0x3: {  	s0 =	srdreg.scid;
	s2 =	rddreg [dreg:$0x2]  }
0x4: {  	s3 =	simm.s32 $0x0;
	s14 =	simm.s32 $0x16800;
	s15 =	simm.s32 $0x80  }
0x5: {  	s16 =	simm.s32 $0x19000;
	s4 =	sand.u32 $0x1, s0;
	s0 =	stileid.u32  }
0x6: {  	s17 =	simm.s32 $0x1;
	s18 =	simm.s32 $0x0;
	s7 =	smul.u32 $0x50000, s0  }
0x7: {  	[smem:$0x7FF] =	sst s3;
	s1 =	sshll.u32 s4, $0x4;
	s10 =	smul.u32 $0x140000, s4  }
0x8: {  	s8 =	ssub.s32 $0x2, s4;
	s4 =	sadd.s32 $0x18E00, s5;
	s12 =	smul.u32 $0x14000, s0  }
0x9: {  	s29 =	sshll.u32 s0, $0x6;
	s6 =	sor.u32 s0, s1;
	s1 =	rddreg [dreg:$0x3]  }
0xa: {  	_ =	strace $0x8000004A;
	s11 =	sshrl.u32 s8, $0x1;
	s6 =	smul.u32 $0x500, s6  }
0xb: {  	s11 =	ssub.s32 s8, s11;
	s28 =	sshrl.u32 s7, $0x2;
	s30 =	sadd.s32 s12, s10  }
0xc: {  	s12 =	simm.s32 $0x2;
	s31 =	sadd.s32 s28, s2;
	s10 =	sshrl.u32 s30, $0x3  }
0xd: {  	s13 =	sadd.s32 s6, s5;
	s5 =	sadd.s32 $0x40E00, s5;
	s6 =	sor.u32 $0x1C02, s29  }
0xe: {  	s9 =	sadd.s32 s9, s10;
	s10 =	smax.u32 s11, $0x1;
	s11 =	sshrl.u32 s31, $0x3  }
0xf: {  	s7 =	sadd.s32 $0x4E00, s13;
	s8 =	sadd.s32 $0xEE00, s13;
	s13 =	simm.s32 $0x14000  }
.LBB2_1:
0x10: {  	[spmem:s11], [sflag:s6] =	dma.local [hbm:s5], $0x2800  }
0x11: {  	_ =	swait.ge [sflag:s12], $0x2800  }
0x12: {  	[sflag:s12] =	ssyncset.done $0x0  }
0x13: {  	[sflag:s12] =	ssyncadd.s32 $0xFFFFD800  }
0x14: {  	[tilespmem:s13], [sflag:$0x2] =	stream.linear.gather [hbm4b:s7+s3], $0x2780, $0x38;
	[tilespmem:$0x1D000] =	vst v63  }
0x15: {  	_ =	swait.ge [sflag:s12], $0x2780  }
0x16: {  	[sflag:s12] =	ssyncset.done $0x0  }
0x17: {  	[sflag:s12] =	ssyncadd.s32 $0xFFFFD880  }
0x18: {  	[tilespmem:s14], [sflag:$0x2] =	stream.linear.gather [hbm4b:s8+s3], $0x2780, $0x38;
	[tilespmem:$0x1D000] =	vst v63  }
0x19: {  	_ =	swait.ge [sflag:s12], $0x2780  }
0x1a: {  	[sflag:s12] =	ssyncset.done $0x0  }
0x1b: {  	[sflag:s12] =	ssyncadd.s32 $0xFFFFD880  }
0x1c: {  	s19 =	simm.s32 $0x14000;
	[bflag:$0x0] =	sbarrier.arrive $0xFFFF  }
0x1d: {  	[tilespmem:s16], [sflag:$0x1] =	stream.indirect.gather [hbm4b:s4+s15], $0x80, s19, s15, $0xb8;
	[tilespmem:$0x1D000] =	vst v63  }
0x1e: {  	_ =	swait.ge [sflag:s17], $0x4000  }
0x1f: {  	[sflag:s17] =	ssyncset.done $0x0  }
0x20: {  	s31 =	simm.s32 $0x16800;
	[sflag:s17] =	ssyncadd.s32 $0xFFFFC000  }
0x21: {  	[spmem:s2] =	stream.indirect.scatter.add.f32 [tilespmem:s16], [sflag:$0x2], $0x80, s31, s15, $0xb8;
	[tilespmem:$0x1D000] =	vst v63  }
0x22: {  	_ =	swait.ge [sflag:s12], $0x4000  }
0x23: {  	s20 =	simm.s32 $0x400;
	s19 =	simm.s32 $0x80;
	[sflag:s12] =	ssyncset.done $0x0  }
.LBB2_2:
0x24: {  	s21 =	sadd.s32 $0x14000, s19  }
0x25: {  	[sflag:s12] =	ssyncadd.s32 $0xFFFFC000;
	s22 =	smov.u32 s20;
	s23 =	sadd.s32 $0x200, s20  }
0x26: {  	[tilespmem:s16], [sflag:$0x1] =	stream.indirect.gather [hbm4b:s4+s15], $0x80, s21, s15, $0xb8;
	[tilespmem:$0x1D000] =	vst v63  }
0x27: {  	p0 =	sne.s32 s20, $0x9C00;
	_ =	swait.ge [sflag:s17], $0x4000  }
.Ltmp0:
0x28: {  	[sflag:s17] =	ssyncset.done $0x0;
	(pc) =	sbr.rel @p0 .LBB2_2-.Ltmp0, $4  }
0x29: {  	s19 =	sadd.s32 $0x16800, s19;
	[sflag:s17] =	ssyncadd.s32 $0xFFFFC000  }
0x2a: {  	[spmem:s2] =	stream.indirect.scatter.add.f32 [tilespmem:s16], [sflag:$0x2], $0x80, s19, s15, $0xb8;
	[tilespmem:$0x1D000] =	vst v63  }
0x2b: {  	_ =	swait.ge [sflag:s12], $0x4000  }
0x2c: {  	s20 =	smov.u32 s23;
	s19 =	sshra.s32 s22, $0x2;
	[sflag:s12] =	ssyncset.done $0x0  }
0x2d: {  	s20 =	sadd.s32 $0x14000, s19;
	[sflag:s12] =	ssyncadd.s32 $0xFFFFC000  }
0x2e: {  	[tilespmem:s16], [sflag:$0x1] =	stream.indirect.gather [hbm4b:s4+s15], $0x80, s20, s15, $0xb8;
	[tilespmem:$0x1D000] =	vst v63  }
0x2f: {  	_ =	swait.ge [sflag:s17], $0x4000  }
0x30: {  	[sflag:s17] =	ssyncset.done $0x0  }
0x31: {  	s31 =	sadd.s32 $0x16800, s19;
	[sflag:s17] =	ssyncadd.s32 $0xFFFFC000  }
0x32: {  	[spmem:s2] =	stream.indirect.scatter.add.f32 [tilespmem:s16], [sflag:$0x2], $0x80, s31, s15, $0xb8;
	[tilespmem:$0x1D000] =	vst v63  }
0x33: {  	_ =	swait.ge [sflag:s12], $0x4000  }
0x34: {  	s18 =	sadd.s32 $0x1, s18;
	[sflag:s12] =	ssyncset.done $0x0  }
0x35: {  	p0 =	sne.s32 s18, s10;
	[sflag:s12] =	ssyncadd.s32 $0xFFFFC000  }
.Ltmp1:
0x36: {  	[bflag:$0x0] =	sbarrier.arrive $0xFFFF;
	(pc) =	sbr.rel @p0 .LBB2_1-.Ltmp1, $4  }
0x37: {  	[hbm:s9], [sflag:s6] =	dma.local [spmem:s11], $0x2800  }
0x38: {  	_ =	swait.ge [sflag:s12], $0x2800  }
0x39: {  	[sflag:s12] =	ssyncset.done $0x0  }
0x3a: {  	[sflag:s12] =	ssyncadd.s32 $0xFFFFD800  }
0x3b: {  	_ =	sfence.sel $0x180000  }
0x3c: {  	[bflag:$0x0] =	sbarrier.arrive $0xFFFF  }
0x3d: {  	p0 =	sne.s32 s0, $0x0;
	_ =	strace $0x9000004A  }
0x3e: {  	s0 =	sadd.s32 @!p0 $0x100000, s1;
	[bflag:$0x2] =	sbarrier.arrive $0xFFFF  }
0x3f: {  	[sflag:s0] =	ssyncadd.tile.s32 @!p0 $0x1;
	_ =	shalt  }
.Lfunc_end2:
_tile_overlayer_lowered:
.L_overlay_start_2:
0x40: {  	(tag) =	ssettag $0x2  }
0x41: {  	s0 =	rddreg [dreg:$0x0];
	s2 =	stileid.u32  }
0x42: {  	s1 =	rddreg [dreg:$0x1];
	p0 =	sne.s32 s2, $0x0  }
0x43: {  	s3 =	rddreg [dreg:$0x2];
	[bflag:$0x3] =	sbarrier.arrive $0xFFFF;
	s2 =	simm.s32 @!p0 $0x1C02  }
0x44: {  	[timem:s3], [sflag:s2] =	dma.local @!p0 [hbm:s0], s1  }
0x45: {  	s0 =	simm.s32 @!p0 $0x2  }
0x46: {  	_ =	swait.ge @!p0 [sflag:s0], s1  }
0x47: {  	s1 =	ssub.s32 @!p0 $0x0, s1;
	[sflag:s0] =	ssyncset.done @!p0 $0x0  }
0x48: {  	[sflag:s0] =	ssyncadd.s32 @!p0 s1  }
0x49: {  	[bflag:$0x3] =	sbarrier.arrive $0xFFFF  }
0x4a: {  	_ =	shalt  }

// kernel: kernel.18.cloned.1.call-start
scs
__scs_entry_jumppad:
0x0: {  	(pc) =	sbr.rel $0x88, $3  }
0x1: {  	(tag) =	ssettag $0x0;
	lr =	simm.s32 $0x1  }
0x2: {  	[smem:$0x3F9B] =	sst lr;
	_ =	strace $0xD0000000  }
0x3: {  	_ = 	snop  }
0x4: {  	_ = 	snop  }
0x5: {  	_ = 	snop  }
0x6: {  	_ = 	snop  }
0x7: {  	_ = 	snop  }
__scs_overlays_trampoline_lowered:
0x8: {  	[smem:$0x3FAA] =	sst s0  }
0x9: {  	[smem:$0x3FAB] =	sst s1  }
0xa: {  	[smem:$0x3FAC] =	sst s2  }
0xb: {  	[smem:$0x3FAD] =	sst s3  }
0xc: {  	[smem:$0x3FAE] =	sst s4  }
0xd: {  	[smem:$0x3FAF] =	sst s5  }
0xe: {  	[smem:$0x3FB0] =	sst s6  }
0xf: {  	[smem:$0x3FB1] =	sst s7  }
0x10: {  	[smem:$0x3FB2] =	sst s8  }
0x11: {  	[smem:$0x3FB3] =	sst s9;
	s0 =	simm.s32 @!p0 $0x0  }
0x12: {  	s1 =	sld [smem:$0x3F99];
	s0 =	simm.s32 @p0 $0x1  }
0x13: {  	[smem:$0x3FB4] =	sst s0;
	s0 =	simm.s32 @!p1 $0x0  }
0x14: {  	s2 =	sld [smem:$0x3F98];
	s0 =	simm.s32 @p1 $0x1  }
0x15: {  	[smem:$0x3FB5] =	sst s0;
	s0 =	simm.s32 @!p2 $0x0  }
0x16: {  	s3 =	sld [smem:$0x3FDB];
	s0 =	simm.s32 @p2 $0x1  }
0x17: {  	s4 =	simm.s32 $0x1BF5;
	[smem:$0x3FB7] =	sst s0  }
0x18: {  	s0 =	sld [smem:$0x3F9A];
	_ =	swait.ge [sflag:s4], $0x0  }
0x19: {  	s7 =	sld [smem:$0x3F9B]  }
0x1a: {  	s8 =	sadd.s32 $0xFFFFE003, lr  }
0x1b: {  	s9 =	sadd.s32 $0xFFFFFEF7, lr;
	s5 =	simm.s32 $0xFFFFFFFF;
	p2 =	slt.u32 s8, $0xFFFFF086  }
0x1c: {  	p1 =	slt.u32 s9, $0xF7A;
	s5 =	simm.s32 @!p2 $0x0  }
0x1d: {  	s5 =	simm.s32 @p1 $0x1;
	p0 =	seq.s32 s7, s2  }
0x1e: {  	s7 =	smul.u32 @!p0 $0xF7A, s2;
	p2 =	seq.s32 @!p0 s5, $0x0  }
0x1f: {  	s9 =	smul.u32 $0xF7A, s1;
	s8 =	simm.s32 @!p0 $0x1BF5;
	p2 =	por !p2, p0  }
0x20: {  	[sflag:s8] =	ssyncset.s32 @!p0 $0xFFFFF086;
	s6 =	sadd.s32 @!p0 s3, s7;
	s7 =	simm.s32 @!p0 $0x108  }
0x21: {  	s3 =	sadd.s32 s3, s9;
	s6 =	sadd.s32 @!p0 $0x88, s6;
	s7 =	simm.s32 @p2 $0x1082  }
0x22: {  	[simem:s7], [sflag:s8] =	dma.local @!p0 [hbm:s6], $0xF7A  }
0x23: {  	s9 =	sor.u32 $0xD0000000, s2;
	s6 =	simm.s32 $0x108;
	_ =	swait.ge @!p0 [sflag:s8], $0x0  }
0x24: {  	s3 =	sadd.s32 $0x88, s3;
	s6 =	simm.s32 @!p1 $0x1082;
	[sflag:s4] =	ssyncset.s32 $0xFFFFF086  }
0x25: {  	[simem:s6], [sflag:s4] =	dma.local [hbm:s3], $0xF7A  }
0x26: {  	[smem:$0x3F9B] =	sst s1;
	(tag) =	ssettag s2;
	_ =	strace s9  }
0x27: {  	s1 =	sld [smem:$0x3FAB]  }
0x28: {  	s2 =	sld [smem:$0x3FAC]  }
0x29: {  	s4 =	sld [smem:$0x3FAE]  }
0x2a: {  	p0 =	seq.s32 s5, $0x0;
	s5 =	sld [smem:$0x3FAF]  }
0x2b: {  	s6 =	sld [smem:$0x3FB0]  }
0x2c: {  	s7 =	sld [smem:$0x3FB1]  }
0x2d: {  	s3 =	simm.s32 $0x108;
	s8 =	sld [smem:$0x3FB2]  }
0x2e: {  	s3 =	simm.s32 @!p0 $0x1082;
	s9 =	sld [smem:$0x3FB3]  }
0x2f: {  	lr =	sadd.s32 s0, s3;
	s0 =	sld [smem:$0x3FAA]  }
0x30: {  	s3 =	sld [smem:$0x3FAD]  }
0x31: {  	[smem:$0x3FB6] =	sst s10  }
0x32: {  	s10 =	sld [smem:$0x3FB4];
	_ =	sdelay $0x3  }
0x33: {  	p0 =	seq.s32 s10, $0x1;
	s10 =	sld [smem:$0x3FB6];
	_ =	sdelay $0x3  }
0x34: {  	[smem:$0x3FB6] =	sst s10  }
0x35: {  	s10 =	sld [smem:$0x3FB5];
	_ =	sdelay $0x3  }
0x36: {  	p1 =	seq.s32 s10, $0x1;
	s10 =	sld [smem:$0x3FB6];
	_ =	sdelay $0x3  }
0x37: {  	[smem:$0x3FB6] =	sst s10  }
0x38: {  	s10 =	sld [smem:$0x3FB7]  }
0x39: {  	_ = 	snop;
	(pc) =	sbr.ind lr, $3  }
0x3a: {  	_ = 	snop  }
0x3b: {  	_ = 	snop  }
0x3c: {  	p2 =	seq.s32 s10, $0x1;
	s10 =	sld [smem:$0x3FB6]  }
0x3d: {  	_ =	shalt  }
0x3e: {  	_ =	shalt  }
0x3f: {  	_ =	shalt  }
0x40: {  	_ =	shalt  }
0x41: {  	_ =	shalt  }
0x42: {  	_ =	shalt  }
0x43: {  	_ =	shalt  }
0x44: {  	_ =	shalt  }
0x45: {  	_ =	shalt  }
0x46: {  	_ =	shalt  }
0x47: {  	_ =	shalt  }
0x48: {  	_ =	shalt  }
0x49: {  	_ =	shalt  }
0x4a: {  	_ =	shalt  }
0x4b: {  	_ =	shalt  }
0x4c: {  	_ =	shalt  }
0x4d: {  	_ =	shalt  }
0x4e: {  	_ =	shalt  }
0x4f: {  	_ =	shalt  }
0x50: {  	_ =	shalt  }
0x51: {  	_ =	shalt  }
0x52: {  	_ =	shalt  }
0x53: {  	_ =	shalt  }
0x54: {  	_ =	shalt  }
0x55: {  	_ =	shalt  }
0x56: {  	_ =	shalt  }
0x57: {  	_ =	shalt  }
0x58: {  	_ =	shalt  }
0x59: {  	_ =	shalt  }
0x5a: {  	_ =	shalt  }
0x5b: {  	_ =	shalt  }
0x5c: {  	_ =	shalt  }
0x5d: {  	_ =	shalt  }
0x5e: {  	_ =	shalt  }
0x5f: {  	_ =	shalt  }
0x60: {  	_ =	shalt  }
0x61: {  	_ =	shalt  }
0x62: {  	_ =	shalt  }
0x63: {  	_ =	shalt  }
0x64: {  	_ =	shalt  }
0x65: {  	_ =	shalt  }
0x66: {  	_ =	shalt  }
0x67: {  	_ =	shalt  }
0x68: {  	_ =	shalt  }
0x69: {  	_ =	shalt  }
0x6a: {  	_ =	shalt  }
0x6b: {  	_ =	shalt  }
0x6c: {  	_ =	shalt  }
0x6d: {  	_ =	shalt  }
0x6e: {  	_ =	shalt  }
0x6f: {  	_ =	shalt  }
0x70: {  	_ =	shalt  }
0x71: {  	_ =	shalt  }
0x72: {  	_ =	shalt  }
0x73: {  	_ =	shalt  }
0x74: {  	_ =	shalt  }
0x75: {  	_ =	shalt  }
0x76: {  	_ =	shalt  }
0x77: {  	_ =	shalt  }
0x78: {  	_ =	shalt  }
0x79: {  	_ =	shalt  }
0x7a: {  	_ =	shalt  }
0x7b: {  	_ =	shalt  }
0x7c: {  	_ =	shalt  }
0x7d: {  	_ =	shalt  }
0x7e: {  	_ =	shalt  }
0x7f: {  	_ =	shalt  }
0x80: {  	_ =	shalt  }
0x81: {  	_ =	shalt  }
0x82: {  	_ =	shalt  }
0x83: {  	_ =	shalt  }
0x84: {  	_ =	shalt  }
0x85: {  	_ =	shalt  }
0x86: {  	_ =	shalt  }
0x87: {  	_ =	shalt  }
.Lfunc_end0:
.L_simem_size_0:
called_computation.2_lowered:
.L_overlay_start_0:
0x88: {  	s2 =	sld [smem:$0x3FD9]  }
0x89: {  	s3 =	sld [smem:$0x3FFE];
	_ =	sdelay $0x1  }
0x8a: {  	s1 =	srdreg.scid  }
0x8b: {  	s0 =	sand.u32 $0x1, s1  }
0x8c: {  	s17 =	sshll.u32 s0, $0xA;
	s2 =	sadd.s32 s3, s2  }
0x8d: {  	s2 =	sadd.s32 s2, s17  }
0x8e: {  	[smem:$0x3FC2] =	sst s2  }
0x8f: {  	_ = 	snop  }
0x90: {  	s2 =	sld [smem:$0x3FD0];
	(tm) =	ssettm $0x1  }
0x91: {  	s18 =	sld [smem:$0x3FFB];
	_ =	sdelay $0x3  }
0x92: {  	_ =	strace s18  }
0x93: {  	s3 =	sld [smem:$0x3FFC];
	_ =	sdelay $0x3  }
0x94: {  	_ =	strace s3  }
0x95: {  	s3 =	sld [smem:$0x3FFD];
	_ =	sdelay $0x3  }
0x96: {  	_ =	strace s3  }
0x97: {  	_ =	strace $0x8FFFFFFF  }
0x98: {  	s19 =	sld [smem:$0x3FDB];
	_ =	sdelay $0x1  }
0x99: {  	s4 =	simm.s32 $_scs_section_size  }
0x9a: {  	s5 =	simm.s32 $_size__tile_overlayer_lowered;
	s6 =	simm.s32 $_tile_overlayer_lowered  }
0x9b: {  	s22 =	simm.s32 $0x1BFF;
	s21 =	sshll.u32 s6, $0x1;
	s3 =	sadd.s32 s4, s19  }
0x9c: {  	s7 =	simm.s32 $0x0;
	s20 =	sshll.u32 s5, $0x1;
	s5 =	sadd.s32 s21, s3  }
0x9d: {  	[timem:s7], [sflag:s22] =	dma.local [hbm:s5], s20  }
0x9e: {  	_ =	swait.ge [sflag:s22], s20  }
0x9f: {  	s4 =	ssub.s32 $0x0, s20;
	[sflag:s22] =	ssyncset.done $0x0  }
0xa0: {  	[sflag:s22] =	ssyncadd.s32 s4;
	_ =	sdelay $0x1  }
0xa1: {  	s23 =	simm.s32 $0x1B8B  }
0xa2: {  	_ =	swait.ge [sflag:s23], $0x1  }
0xa3: {  	[sflag:s23] =	ssyncset.done $0x0  }
0xa4: {  	s25 =	simm.s32 $0x1B8E;
	s24 =	sld [smem:$0x3FFE];
	[sflag:s23] =	ssyncadd.s32 $0xFFFFFFFF  }
0xa5: {  	s26 =	simm.s32 $execute0_lowered;
	[smem:$0x3FD2] =	sst s25  }
0xa6: {  	s5 =	sshll.u32 s26, $0x1;
	_ =	strace $0x8000004C;
	[dreg:$0x1] =	wrdreg $0xFFFFFFFF  }
0xa7: {  	s28 =	simm.s32 $_size_execute0_lowered;
	s3 =	sadd.s32 s3, s5;
	[dreg:$0x0] =	wrdreg $0x0  }
0xa8: {  	s5 =	sshll.u32 s28, $0x1;
	[dreg:$0x2] =	wrdreg s3  }
0xa9: {  	[dreg:$0x3] =	wrdreg s5  }
0xaa: {  	[dreg:$0x4] =	wrdreg $0xC0  }
0xab: {  	_ =	task [dreg:s7], $0x5FFFF  }
0xac: {  	[dreg:$0x1] =	wrdreg $0xFFFFFFFF  }
0xad: {  	[dreg:$0x0] =	wrdreg $0x60  }
0xae: {  	[dreg:$0x2] =	wrdreg s24  }
0xaf: {  	[dreg:$0x3] =	wrdreg s2  }
0xb0: {  	[dreg:$0x4] =	wrdreg $0x0  }
0xb1: {  	[dreg:$0x5] =	wrdreg $0x9  }
0xb2: {  	_ =	task.clear_ibuf [dreg:s7], $0x6FFFF;
	_ =	strace $0x9000004C  }
0xb3: {  	s29 =	simm.s32 $0x9;
	_ =	strace $0x8000004E  }
0xb4: {  	_ =	swait.ge [sflag:s29], $0x1  }
0xb5: {  	[sflag:s29] =	ssyncadd.s32 $0xFFFFFFFF  }
0xb6: {  	_ =	strace $0x9000004E  }
0xb7: {  	_ =	sfence  }
0xb8: {  	s30 =	sld [smem:$0x0];
	_ =	sdelay $0x2  }
0xb9: {  	s31 =	sshll.u32 s1, $0xD;
	s1 =	sshrl.u32 s1, $0x2  }
0xba: {  	s3 =	sand.u32 $0x4000, s31;
	s1 =	sadd.s32 s1, s30  }
0xbb: {  	s0 =	sor.u32 s3, s0;
	s1 =	sshll.u32 s1, $0x11  }
0xbc: {  	s0 =	sor.u32 s1, s0  }
0xbd: {  	s0 =	sadd.s32 $0x8F2B, s0  }
0xbe: {  	[sflag:s0] =	ssyncadd.remote.s32 $0x1  }
0xbf: {  	_ =	sfence.sel $0xFFFF  }
0xc0: {  	[dreg:$0x0] =	wrdreg $0xFFFFFFFF;
	(pc) =	sbr.abs _section_cstart, $3  }
0xc1: {  	[dreg:$0x1] =	wrdreg $0xFFFFFFFF  }
0xc2: {  	_ =	task.clear_ibuf [dreg:s7], $0x2FFFF;
	_ =	strace $0x9FFFFFFF  }
0xc3: {  	(tm) =	ssettm $0x7FFFFFFF  }
tec
execute0_lowered:
.L_overlay_start_1:
0x0: {  	(tag) =	ssettag $0x1  }
0x1: {  	s5 =	rddreg [dreg:$0x0]  }
0x2: {  	s9 =	rddreg [dreg:$0x1]  }
0x3: {  	s0 =	srdreg.scid;
	s2 =	rddreg [dreg:$0x2]  }
0x4: {  	s3 =	simm.s32 $0x0;
	s14 =	simm.s32 $0x16800;
	s15 =	simm.s32 $0x80  }
0x5: {  	s16 =	simm.s32 $0x19000;
	s4 =	sand.u32 $0x1, s0;
	s0 =	stileid.u32  }
0x6: {  	s17 =	simm.s32 $0x1;
	s18 =	simm.s32 $0x0;
	s7 =	smul.u32 $0x50000, s0  }
0x7: {  	[smem:$0x7FF] =	sst s3;
	s1 =	sshll.u32 s4, $0x4;
	s10 =	smul.u32 $0x140000, s4  }
0x8: {  	s8 =	ssub.s32 $0x2, s4;
	s4 =	sadd.s32 $0x43600, s5;
	s12 =	smul.u32 $0x14000, s0  }
0x9: {  	s29 =	sshll.u32 s0, $0x6;
	s6 =	sor.u32 s0, s1;
	s1 =	rddreg [dreg:$0x3]  }
0xa: {  	_ =	strace $0x8000004D;
	s11 =	sshrl.u32 s8, $0x1;
	s6 =	smul.u32 $0x500, s6  }
0xb: {  	s11 =	ssub.s32 s8, s11;
	s28 =	sshrl.u32 s7, $0x2;
	s30 =	sadd.s32 s12, s10  }
0xc: {  	s12 =	simm.s32 $0x2;
	s31 =	sadd.s32 s28, s2;
	s10 =	sshrl.u32 s30, $0x3  }
0xd: {  	s13 =	sadd.s32 s6, s5;
	s5 =	sadd.s32 $0x40E00, s5;
	s6 =	sor.u32 $0x1C02, s29  }
0xe: {  	s9 =	sadd.s32 s9, s10;
	s10 =	smax.u32 s11, $0x1;
	s11 =	sshrl.u32 s31, $0x3  }
0xf: {  	s7 =	sadd.s32 $0x4E00, s13;
	s8 =	sadd.s32 $0xEE00, s13;
	s13 =	simm.s32 $0x14000  }
.LBB2_1:
0x10: {  	[spmem:s11], [sflag:s6] =	dma.local [hbm:s5], $0x2800  }
0x11: {  	_ =	swait.ge [sflag:s12], $0x2800  }
0x12: {  	[sflag:s12] =	ssyncset.done $0x0  }
0x13: {  	[sflag:s12] =	ssyncadd.s32 $0xFFFFD800  }
0x14: {  	[tilespmem:s13], [sflag:$0x2] =	stream.linear.gather [hbm4b:s7+s3], $0x2780, $0x38;
	[tilespmem:$0x1D000] =	vst v63  }
0x15: {  	_ =	swait.ge [sflag:s12], $0x2780  }
0x16: {  	[sflag:s12] =	ssyncset.done $0x0  }
0x17: {  	[sflag:s12] =	ssyncadd.s32 $0xFFFFD880  }
0x18: {  	[tilespmem:s14], [sflag:$0x2] =	stream.linear.gather [hbm4b:s8+s3], $0x2780, $0x38;
	[tilespmem:$0x1D000] =	vst v63  }
0x19: {  	_ =	swait.ge [sflag:s12], $0x2780  }
0x1a: {  	[sflag:s12] =	ssyncset.done $0x0  }
0x1b: {  	[sflag:s12] =	ssyncadd.s32 $0xFFFFD880  }
0x1c: {  	s19 =	simm.s32 $0x14000;
	[bflag:$0x0] =	sbarrier.arrive $0xFFFF  }
0x1d: {  	[tilespmem:s16], [sflag:$0x1] =	stream.indirect.gather [hbm4b:s4+s15], $0x80, s19, s15, $0xb8;
	[tilespmem:$0x1D000] =	vst v63  }
0x1e: {  	_ =	swait.ge [sflag:s17], $0x4000  }
0x1f: {  	[sflag:s17] =	ssyncset.done $0x0  }
0x20: {  	s31 =	simm.s32 $0x16800;
	[sflag:s17] =	ssyncadd.s32 $0xFFFFC000  }
0x21: {  	[spmem:s2] =	stream.indirect.scatter.add.f32 [tilespmem:s16], [sflag:$0x2], $0x80, s31, s15, $0xb8;
	[tilespmem:$0x1D000] =	vst v63  }
0x22: {  	_ =	swait.ge [sflag:s12], $0x4000  }
0x23: {  	s20 =	simm.s32 $0x400;
	s19 =	simm.s32 $0x80;
	[sflag:s12] =	ssyncset.done $0x0  }
.LBB2_2:
0x24: {  	s21 =	sadd.s32 $0x14000, s19  }
0x25: {  	[sflag:s12] =	ssyncadd.s32 $0xFFFFC000;
	s22 =	smov.u32 s20;
	s23 =	sadd.s32 $0x200, s20  }
0x26: {  	[tilespmem:s16], [sflag:$0x1] =	stream.indirect.gather [hbm4b:s4+s15], $0x80, s21, s15, $0xb8;
	[tilespmem:$0x1D000] =	vst v63  }
0x27: {  	p0 =	sne.s32 s20, $0x9C00;
	_ =	swait.ge [sflag:s17], $0x4000  }
.Ltmp0:
0x28: {  	[sflag:s17] =	ssyncset.done $0x0;
	(pc) =	sbr.rel @p0 .LBB2_2-.Ltmp0, $4  }
0x29: {  	s19 =	sadd.s32 $0x16800, s19;
	[sflag:s17] =	ssyncadd.s32 $0xFFFFC000  }
0x2a: {  	[spmem:s2] =	stream.indirect.scatter.add.f32 [tilespmem:s16], [sflag:$0x2], $0x80, s19, s15, $0xb8;
	[tilespmem:$0x1D000] =	vst v63  }
0x2b: {  	_ =	swait.ge [sflag:s12], $0x4000  }
0x2c: {  	s20 =	smov.u32 s23;
	s19 =	sshra.s32 s22, $0x2;
	[sflag:s12] =	ssyncset.done $0x0  }
0x2d: {  	s20 =	sadd.s32 $0x14000, s19;
	[sflag:s12] =	ssyncadd.s32 $0xFFFFC000  }
0x2e: {  	[tilespmem:s16], [sflag:$0x1] =	stream.indirect.gather [hbm4b:s4+s15], $0x80, s20, s15, $0xb8;
	[tilespmem:$0x1D000] =	vst v63  }
0x2f: {  	_ =	swait.ge [sflag:s17], $0x4000  }
0x30: {  	[sflag:s17] =	ssyncset.done $0x0  }
0x31: {  	s31 =	sadd.s32 $0x16800, s19;
	[sflag:s17] =	ssyncadd.s32 $0xFFFFC000  }
0x32: {  	[spmem:s2] =	stream.indirect.scatter.add.f32 [tilespmem:s16], [sflag:$0x2], $0x80, s31, s15, $0xb8;
	[tilespmem:$0x1D000] =	vst v63  }
0x33: {  	_ =	swait.ge [sflag:s12], $0x4000  }
0x34: {  	s18 =	sadd.s32 $0x1, s18;
	[sflag:s12] =	ssyncset.done $0x0  }
0x35: {  	p0 =	sne.s32 s18, s10;
	[sflag:s12] =	ssyncadd.s32 $0xFFFFC000  }
.Ltmp1:
0x36: {  	[bflag:$0x0] =	sbarrier.arrive $0xFFFF;
	(pc) =	sbr.rel @p0 .LBB2_1-.Ltmp1, $4  }
0x37: {  	[hbm:s9], [sflag:s6] =	dma.local [spmem:s11], $0x2800  }
0x38: {  	_ =	swait.ge [sflag:s12], $0x2800  }
0x39: {  	[sflag:s12] =	ssyncset.done $0x0  }
0x3a: {  	[sflag:s12] =	ssyncadd.s32 $0xFFFFD800  }
0x3b: {  	_ =	sfence.sel $0x180000  }
0x3c: {  	[bflag:$0x0] =	sbarrier.arrive $0xFFFF  }
0x3d: {  	p0 =	sne.s32 s0, $0x0;
	_ =	strace $0x9000004D  }
0x3e: {  	s0 =	sadd.s32 @!p0 $0x100000, s1;
	[bflag:$0x2] =	sbarrier.arrive $0xFFFF  }
0x3f: {  	[sflag:s0] =	ssyncadd.tile.s32 @!p0 $0x1;
	_ =	shalt  }
.Lfunc_end2:
_tile_overlayer_lowered:
.L_overlay_start_2:
0x40: {  	(tag) =	ssettag $0x2  }
0x41: {  	s0 =	rddreg [dreg:$0x0];
	s2 =	stileid.u32  }
0x42: {  	s1 =	rddreg [dreg:$0x1];
	p0 =	sne.s32 s2, $0x0  }
0x43: {  	s3 =	rddreg [dreg:$0x2];
	[bflag:$0x3] =	sbarrier.arrive $0xFFFF;
	s2 =	simm.s32 @!p0 $0x1C02  }
0x44: {  	[timem:s3], [sflag:s2] =	dma.local @!p0 [hbm:s0], s1  }
0x45: {  	s0 =	simm.s32 @!p0 $0x2  }
0x46: {  	_ =	swait.ge @!p0 [sflag:s0], s1  }
0x47: {  	s1 =	ssub.s32 @!p0 $0x0, s1;
	[sflag:s0] =	ssyncset.done @!p0 $0x0  }
0x48: {  	[sflag:s0] =	ssyncadd.s32 @!p0 s1  }
0x49: {  	[bflag:$0x3] =	sbarrier.arrive $0xFFFF  }
0x4a: {  	_ =	shalt  }

// kernel: kernel.21.cloned.1.call-start
scs
__scs_entry_jumppad:
0x0: {  	(pc) =	sbr.rel $0x88, $3  }
0x1: {  	(tag) =	ssettag $0x0;
	lr =	simm.s32 $0x1  }
0x2: {  	[smem:$0x3F9B] =	sst lr;
	_ =	strace $0xD0000000  }
0x3: {  	_ = 	snop  }
0x4: {  	_ = 	snop  }
0x5: {  	_ = 	snop  }
0x6: {  	_ = 	snop  }
0x7: {  	_ = 	snop  }
__scs_overlays_trampoline_lowered:
0x8: {  	[smem:$0x3FAA] =	sst s0  }
0x9: {  	[smem:$0x3FAB] =	sst s1  }
0xa: {  	[smem:$0x3FAC] =	sst s2  }
0xb: {  	[smem:$0x3FAD] =	sst s3  }
0xc: {  	[smem:$0x3FAE] =	sst s4  }
0xd: {  	[smem:$0x3FAF] =	sst s5  }
0xe: {  	[smem:$0x3FB0] =	sst s6  }
0xf: {  	[smem:$0x3FB1] =	sst s7  }
0x10: {  	[smem:$0x3FB2] =	sst s8  }
0x11: {  	[smem:$0x3FB3] =	sst s9;
	s0 =	simm.s32 @!p0 $0x0  }
0x12: {  	s1 =	sld [smem:$0x3F99];
	s0 =	simm.s32 @p0 $0x1  }
0x13: {  	[smem:$0x3FB4] =	sst s0;
	s0 =	simm.s32 @!p1 $0x0  }
0x14: {  	s2 =	sld [smem:$0x3F98];
	s0 =	simm.s32 @p1 $0x1  }
0x15: {  	[smem:$0x3FB5] =	sst s0;
	s0 =	simm.s32 @!p2 $0x0  }
0x16: {  	s3 =	sld [smem:$0x3FDB];
	s0 =	simm.s32 @p2 $0x1  }
0x17: {  	s4 =	simm.s32 $0x1BF5;
	[smem:$0x3FB7] =	sst s0  }
0x18: {  	s0 =	sld [smem:$0x3F9A];
	_ =	swait.ge [sflag:s4], $0x0  }
0x19: {  	s7 =	sld [smem:$0x3F9B]  }
0x1a: {  	s8 =	sadd.s32 $0xFFFFE003, lr  }
0x1b: {  	s9 =	sadd.s32 $0xFFFFFEF7, lr;
	s5 =	simm.s32 $0xFFFFFFFF;
	p2 =	slt.u32 s8, $0xFFFFF086  }
0x1c: {  	p1 =	slt.u32 s9, $0xF7A;
	s5 =	simm.s32 @!p2 $0x0  }
0x1d: {  	s5 =	simm.s32 @p1 $0x1;
	p0 =	seq.s32 s7, s2  }
0x1e: {  	s7 =	smul.u32 @!p0 $0xF7A, s2;
	p2 =	seq.s32 @!p0 s5, $0x0  }
0x1f: {  	s9 =	smul.u32 $0xF7A, s1;
	s8 =	simm.s32 @!p0 $0x1BF5;
	p2 =	por !p2, p0  }
0x20: {  	[sflag:s8] =	ssyncset.s32 @!p0 $0xFFFFF086;
	s6 =	sadd.s32 @!p0 s3, s7;
	s7 =	simm.s32 @!p0 $0x108  }
0x21: {  	s3 =	sadd.s32 s3, s9;
	s6 =	sadd.s32 @!p0 $0x88, s6;
	s7 =	simm.s32 @p2 $0x1082  }
0x22: {  	[simem:s7], [sflag:s8] =	dma.local @!p0 [hbm:s6], $0xF7A  }
0x23: {  	s9 =	sor.u32 $0xD0000000, s2;
	s6 =	simm.s32 $0x108;
	_ =	swait.ge @!p0 [sflag:s8], $0x0  }
0x24: {  	s3 =	sadd.s32 $0x88, s3;
	s6 =	simm.s32 @!p1 $0x1082;
	[sflag:s4] =	ssyncset.s32 $0xFFFFF086  }
0x25: {  	[simem:s6], [sflag:s4] =	dma.local [hbm:s3], $0xF7A  }
0x26: {  	[smem:$0x3F9B] =	sst s1;
	(tag) =	ssettag s2;
	_ =	strace s9  }
0x27: {  	s1 =	sld [smem:$0x3FAB]  }
0x28: {  	s2 =	sld [smem:$0x3FAC]  }
0x29: {  	s4 =	sld [smem:$0x3FAE]  }
0x2a: {  	p0 =	seq.s32 s5, $0x0;
	s5 =	sld [smem:$0x3FAF]  }
0x2b: {  	s6 =	sld [smem:$0x3FB0]  }
0x2c: {  	s7 =	sld [smem:$0x3FB1]  }
0x2d: {  	s3 =	simm.s32 $0x108;
	s8 =	sld [smem:$0x3FB2]  }
0x2e: {  	s3 =	simm.s32 @!p0 $0x1082;
	s9 =	sld [smem:$0x3FB3]  }
0x2f: {  	lr =	sadd.s32 s0, s3;
	s0 =	sld [smem:$0x3FAA]  }
0x30: {  	s3 =	sld [smem:$0x3FAD]  }
0x31: {  	[smem:$0x3FB6] =	sst s10  }
0x32: {  	s10 =	sld [smem:$0x3FB4];
	_ =	sdelay $0x3  }
0x33: {  	p0 =	seq.s32 s10, $0x1;
	s10 =	sld [smem:$0x3FB6];
	_ =	sdelay $0x3  }
0x34: {  	[smem:$0x3FB6] =	sst s10  }
0x35: {  	s10 =	sld [smem:$0x3FB5];
	_ =	sdelay $0x3  }
0x36: {  	p1 =	seq.s32 s10, $0x1;
	s10 =	sld [smem:$0x3FB6];
	_ =	sdelay $0x3  }
0x37: {  	[smem:$0x3FB6] =	sst s10  }
0x38: {  	s10 =	sld [smem:$0x3FB7]  }
0x39: {  	_ = 	snop;
	(pc) =	sbr.ind lr, $3  }
0x3a: {  	_ = 	snop  }
0x3b: {  	_ = 	snop  }
0x3c: {  	p2 =	seq.s32 s10, $0x1;
	s10 =	sld [smem:$0x3FB6]  }
0x3d: {  	_ =	shalt  }
0x3e: {  	_ =	shalt  }
0x3f: {  	_ =	shalt  }
0x40: {  	_ =	shalt  }
0x41: {  	_ =	shalt  }
0x42: {  	_ =	shalt  }
0x43: {  	_ =	shalt  }
0x44: {  	_ =	shalt  }
0x45: {  	_ =	shalt  }
0x46: {  	_ =	shalt  }
0x47: {  	_ =	shalt  }
0x48: {  	_ =	shalt  }
0x49: {  	_ =	shalt  }
0x4a: {  	_ =	shalt  }
0x4b: {  	_ =	shalt  }
0x4c: {  	_ =	shalt  }
0x4d: {  	_ =	shalt  }
0x4e: {  	_ =	shalt  }
0x4f: {  	_ =	shalt  }
0x50: {  	_ =	shalt  }
0x51: {  	_ =	shalt  }
0x52: {  	_ =	shalt  }
0x53: {  	_ =	shalt  }
0x54: {  	_ =	shalt  }
0x55: {  	_ =	shalt  }
0x56: {  	_ =	shalt  }
0x57: {  	_ =	shalt  }
0x58: {  	_ =	shalt  }
0x59: {  	_ =	shalt  }
0x5a: {  	_ =	shalt  }
0x5b: {  	_ =	shalt  }
0x5c: {  	_ =	shalt  }
0x5d: {  	_ =	shalt  }
0x5e: {  	_ =	shalt  }
0x5f: {  	_ =	shalt  }
0x60: {  	_ =	shalt  }
0x61: {  	_ =	shalt  }
0x62: {  	_ =	shalt  }
0x63: {  	_ =	shalt  }
0x64: {  	_ =	shalt  }
0x65: {  	_ =	shalt  }
0x66: {  	_ =	shalt  }
0x67: {  	_ =	shalt  }
0x68: {  	_ =	shalt  }
0x69: {  	_ =	shalt  }
0x6a: {  	_ =	shalt  }
0x6b: {  	_ =	shalt  }
0x6c: {  	_ =	shalt  }
0x6d: {  	_ =	shalt  }
0x6e: {  	_ =	shalt  }
0x6f: {  	_ =	shalt  }
0x70: {  	_ =	shalt  }
0x71: {  	_ =	shalt  }
0x72: {  	_ =	shalt  }
0x73: {  	_ =	shalt  }
0x74: {  	_ =	shalt  }
0x75: {  	_ =	shalt  }
0x76: {  	_ =	shalt  }
0x77: {  	_ =	shalt  }
0x78: {  	_ =	shalt  }
0x79: {  	_ =	shalt  }
0x7a: {  	_ =	shalt  }
0x7b: {  	_ =	shalt  }
0x7c: {  	_ =	shalt  }
0x7d: {  	_ =	shalt  }
0x7e: {  	_ =	shalt  }
0x7f: {  	_ =	shalt  }
0x80: {  	_ =	shalt  }
0x81: {  	_ =	shalt  }
0x82: {  	_ =	shalt  }
0x83: {  	_ =	shalt  }
0x84: {  	_ =	shalt  }
0x85: {  	_ =	shalt  }
0x86: {  	_ =	shalt  }
0x87: {  	_ =	shalt  }
.Lfunc_end0:
.L_simem_size_0:
called_computation.3_lowered:
.L_overlay_start_0:
0x88: {  	s2 =	sld [smem:$0x3FD9]  }
0x89: {  	s3 =	sld [smem:$0x3FFE];
	_ =	sdelay $0x1  }
0x8a: {  	s1 =	srdreg.scid  }
0x8b: {  	s0 =	sand.u32 $0x1, s1  }
0x8c: {  	s17 =	sshll.u32 s0, $0xA;
	s2 =	sadd.s32 s3, s2  }
0x8d: {  	s2 =	sadd.s32 s2, s17  }
0x8e: {  	[smem:$0x3FC2] =	sst s2  }
0x8f: {  	_ = 	snop  }
0x90: {  	s2 =	sld [smem:$0x3FD0];
	(tm) =	ssettm $0x1  }
0x91: {  	s18 =	sld [smem:$0x3FFB];
	_ =	sdelay $0x3  }
0x92: {  	_ =	strace s18  }
0x93: {  	s3 =	sld [smem:$0x3FFC];
	_ =	sdelay $0x3  }
0x94: {  	_ =	strace s3  }
0x95: {  	s3 =	sld [smem:$0x3FFD];
	_ =	sdelay $0x3  }
0x96: {  	_ =	strace s3  }
0x97: {  	_ =	strace $0x8FFFFFFF  }
0x98: {  	s19 =	sld [smem:$0x3FDB];
	_ =	sdelay $0x1  }
0x99: {  	s4 =	simm.s32 $_scs_section_size  }
0x9a: {  	s5 =	simm.s32 $_size__tile_overlayer_lowered;
	s6 =	simm.s32 $_tile_overlayer_lowered  }
0x9b: {  	s22 =	simm.s32 $0x1BFF;
	s21 =	sshll.u32 s6, $0x1;
	s3 =	sadd.s32 s4, s19  }
0x9c: {  	s7 =	simm.s32 $0x0;
	s20 =	sshll.u32 s5, $0x1;
	s5 =	sadd.s32 s21, s3  }
0x9d: {  	[timem:s7], [sflag:s22] =	dma.local [hbm:s5], s20  }
0x9e: {  	_ =	swait.ge [sflag:s22], s20  }
0x9f: {  	s4 =	ssub.s32 $0x0, s20;
	[sflag:s22] =	ssyncset.done $0x0  }
0xa0: {  	[sflag:s22] =	ssyncadd.s32 s4;
	_ =	sdelay $0x1  }
0xa1: {  	s23 =	simm.s32 $0x1B8B  }
0xa2: {  	_ =	swait.ge [sflag:s23], $0x1  }
0xa3: {  	[sflag:s23] =	ssyncset.done $0x0  }
0xa4: {  	s25 =	simm.s32 $0x1B8E;
	s24 =	sld [smem:$0x3FFE];
	[sflag:s23] =	ssyncadd.s32 $0xFFFFFFFF  }
0xa5: {  	s26 =	simm.s32 $execute0_lowered;
	[smem:$0x3FD2] =	sst s25  }
0xa6: {  	s5 =	sshll.u32 s26, $0x1;
	_ =	strace $0x8000004F;
	[dreg:$0x1] =	wrdreg $0xFFFFFFFF  }
0xa7: {  	s28 =	simm.s32 $_size_execute0_lowered;
	s3 =	sadd.s32 s3, s5;
	[dreg:$0x0] =	wrdreg $0x0  }
0xa8: {  	s5 =	sshll.u32 s28, $0x1;
	[dreg:$0x2] =	wrdreg s3  }
0xa9: {  	[dreg:$0x3] =	wrdreg s5  }
0xaa: {  	[dreg:$0x4] =	wrdreg $0xC0  }
0xab: {  	_ =	task [dreg:s7], $0x5FFFF  }
0xac: {  	[dreg:$0x1] =	wrdreg $0xFFFFFFFF  }
0xad: {  	[dreg:$0x0] =	wrdreg $0x60  }
0xae: {  	[dreg:$0x2] =	wrdreg s24  }
0xaf: {  	[dreg:$0x3] =	wrdreg s2  }
0xb0: {  	[dreg:$0x4] =	wrdreg $0x0  }
0xb1: {  	[dreg:$0x5] =	wrdreg $0x9  }
0xb2: {  	_ =	task.clear_ibuf [dreg:s7], $0x6FFFF;
	_ =	strace $0x9000004F  }
0xb3: {  	s29 =	simm.s32 $0x9;
	_ =	strace $0x80000051  }
0xb4: {  	_ =	swait.ge [sflag:s29], $0x1  }
0xb5: {  	[sflag:s29] =	ssyncadd.s32 $0xFFFFFFFF  }
0xb6: {  	_ =	strace $0x90000051  }
0xb7: {  	_ =	sfence  }
0xb8: {  	s30 =	sld [smem:$0x0];
	_ =	sdelay $0x2  }
0xb9: {  	s31 =	sshll.u32 s1, $0xD;
	s1 =	sshrl.u32 s1, $0x2  }
0xba: {  	s3 =	sand.u32 $0x4000, s31;
	s1 =	sadd.s32 s1, s30  }
0xbb: {  	s0 =	sor.u32 s3, s0;
	s1 =	sshll.u32 s1, $0x11  }
0xbc: {  	s0 =	sor.u32 s1, s0  }
0xbd: {  	s0 =	sadd.s32 $0x8F2B, s0  }
0xbe: {  	[sflag:s0] =	ssyncadd.remote.s32 $0x1  }
0xbf: {  	_ =	sfence.sel $0xFFFF  }
0xc0: {  	[dreg:$0x0] =	wrdreg $0xFFFFFFFF;
	(pc) =	sbr.abs _section_cstart, $3  }
0xc1: {  	[dreg:$0x1] =	wrdreg $0xFFFFFFFF  }
0xc2: {  	_ =	task.clear_ibuf [dreg:s7], $0x2FFFF;
	_ =	strace $0x9FFFFFFF  }
0xc3: {  	(tm) =	ssettm $0x7FFFFFFF  }
tec
execute0_lowered:
.L_overlay_start_1:
0x0: {  	(tag) =	ssettag $0x1  }
0x1: {  	s5 =	rddreg [dreg:$0x0]  }
0x2: {  	s9 =	rddreg [dreg:$0x1]  }
0x3: {  	s0 =	srdreg.scid;
	s2 =	rddreg [dreg:$0x2]  }
0x4: {  	s3 =	simm.s32 $0x0;
	s14 =	simm.s32 $0x16800;
	s15 =	simm.s32 $0x80  }
0x5: {  	s16 =	simm.s32 $0x19000;
	s4 =	sand.u32 $0x1, s0;
	s0 =	stileid.u32  }
0x6: {  	s17 =	simm.s32 $0x1;
	s18 =	simm.s32 $0x0;
	s7 =	smul.u32 $0x50000, s0  }
0x7: {  	[smem:$0x7FF] =	sst s3;
	s1 =	sshll.u32 s4, $0x4;
	s10 =	smul.u32 $0x140000, s4  }
0x8: {  	s8 =	ssub.s32 $0x2, s4;
	s4 =	sadd.s32 $0x6B600, s5;
	s12 =	smul.u32 $0x14000, s0  }
0x9: {  	s29 =	sshll.u32 s0, $0x6;
	s6 =	sor.u32 s0, s1;
	s1 =	rddreg [dreg:$0x3]  }
0xa: {  	_ =	strace $0x80000050;
	s11 =	sshrl.u32 s8, $0x1;
	s6 =	smul.u32 $0x500, s6  }
0xb: {  	s11 =	ssub.s32 s8, s11;
	s28 =	sshrl.u32 s7, $0x2;
	s30 =	sadd.s32 s12, s10  }
0xc: {  	s12 =	simm.s32 $0x2;
	s31 =	sadd.s32 s28, s2;
	s10 =	sshrl.u32 s30, $0x3  }
0xd: {  	s13 =	sadd.s32 s6, s5;
	s5 =	sadd.s32 $0x40E00, s5;
	s6 =	sor.u32 $0x1C02, s29  }
0xe: {  	s9 =	sadd.s32 s9, s10;
	s10 =	smax.u32 s11, $0x1;
	s11 =	sshrl.u32 s31, $0x3  }
0xf: {  	s7 =	sadd.s32 $0x4E00, s13;
	s8 =	sadd.s32 $0xEE00, s13;
	s13 =	simm.s32 $0x14000  }
.LBB2_1:
0x10: {  	[spmem:s11], [sflag:s6] =	dma.local [hbm:s5], $0x2800  }
0x11: {  	_ =	swait.ge [sflag:s12], $0x2800  }
0x12: {  	[sflag:s12] =	ssyncset.done $0x0  }
0x13: {  	[sflag:s12] =	ssyncadd.s32 $0xFFFFD800  }
0x14: {  	[tilespmem:s13], [sflag:$0x2] =	stream.linear.gather [hbm4b:s7+s3], $0x2780, $0x38;
	[tilespmem:$0x1D000] =	vst v63  }
0x15: {  	_ =	swait.ge [sflag:s12], $0x2780  }
0x16: {  	[sflag:s12] =	ssyncset.done $0x0  }
0x17: {  	[sflag:s12] =	ssyncadd.s32 $0xFFFFD880  }
0x18: {  	[tilespmem:s14], [sflag:$0x2] =	stream.linear.gather [hbm4b:s8+s3], $0x2780, $0x38;
	[tilespmem:$0x1D000] =	vst v63  }
0x19: {  	_ =	swait.ge [sflag:s12], $0x2780  }
0x1a: {  	[sflag:s12] =	ssyncset.done $0x0  }
0x1b: {  	[sflag:s12] =	ssyncadd.s32 $0xFFFFD880  }
0x1c: {  	s19 =	simm.s32 $0x14000;
	[bflag:$0x0] =	sbarrier.arrive $0xFFFF  }
0x1d: {  	[tilespmem:s16], [sflag:$0x1] =	stream.indirect.gather [hbm4b:s4+s15], $0x80, s19, s15, $0xb8;
	[tilespmem:$0x1D000] =	vst v63  }
0x1e: {  	_ =	swait.ge [sflag:s17], $0x4000  }
0x1f: {  	[sflag:s17] =	ssyncset.done $0x0  }
0x20: {  	s31 =	simm.s32 $0x16800;
	[sflag:s17] =	ssyncadd.s32 $0xFFFFC000  }
0x21: {  	[spmem:s2] =	stream.indirect.scatter.add.f32 [tilespmem:s16], [sflag:$0x2], $0x80, s31, s15, $0xb8;
	[tilespmem:$0x1D000] =	vst v63  }
0x22: {  	_ =	swait.ge [sflag:s12], $0x4000  }
0x23: {  	s20 =	simm.s32 $0x400;
	s19 =	simm.s32 $0x80;
	[sflag:s12] =	ssyncset.done $0x0  }
.LBB2_2:
0x24: {  	s21 =	sadd.s32 $0x14000, s19  }
0x25: {  	[sflag:s12] =	ssyncadd.s32 $0xFFFFC000;
	s22 =	smov.u32 s20;
	s23 =	sadd.s32 $0x200, s20  }
0x26: {  	[tilespmem:s16], [sflag:$0x1] =	stream.indirect.gather [hbm4b:s4+s15], $0x80, s21, s15, $0xb8;
	[tilespmem:$0x1D000] =	vst v63  }
0x27: {  	p0 =	sne.s32 s20, $0x9C00;
	_ =	swait.ge [sflag:s17], $0x4000  }
.Ltmp0:
0x28: {  	[sflag:s17] =	ssyncset.done $0x0;
	(pc) =	sbr.rel @p0 .LBB2_2-.Ltmp0, $4  }
0x29: {  	s19 =	sadd.s32 $0x16800, s19;
	[sflag:s17] =	ssyncadd.s32 $0xFFFFC000  }
0x2a: {  	[spmem:s2] =	stream.indirect.scatter.add.f32 [tilespmem:s16], [sflag:$0x2], $0x80, s19, s15, $0xb8;
	[tilespmem:$0x1D000] =	vst v63  }
0x2b: {  	_ =	swait.ge [sflag:s12], $0x4000  }
0x2c: {  	s20 =	smov.u32 s23;
	s19 =	sshra.s32 s22, $0x2;
	[sflag:s12] =	ssyncset.done $0x0  }
0x2d: {  	s20 =	sadd.s32 $0x14000, s19;
	[sflag:s12] =	ssyncadd.s32 $0xFFFFC000  }
0x2e: {  	[tilespmem:s16], [sflag:$0x1] =	stream.indirect.gather [hbm4b:s4+s15], $0x80, s20, s15, $0xb8;
	[tilespmem:$0x1D000] =	vst v63  }
0x2f: {  	_ =	swait.ge [sflag:s17], $0x4000  }
0x30: {  	[sflag:s17] =	ssyncset.done $0x0  }
0x31: {  	s31 =	sadd.s32 $0x16800, s19;
	[sflag:s17] =	ssyncadd.s32 $0xFFFFC000  }
0x32: {  	[spmem:s2] =	stream.indirect.scatter.add.f32 [tilespmem:s16], [sflag:$0x2], $0x80, s31, s15, $0xb8;
	[tilespmem:$0x1D000] =	vst v63  }
0x33: {  	_ =	swait.ge [sflag:s12], $0x4000  }
0x34: {  	s18 =	sadd.s32 $0x1, s18;
	[sflag:s12] =	ssyncset.done $0x0  }
0x35: {  	p0 =	sne.s32 s18, s10;
	[sflag:s12] =	ssyncadd.s32 $0xFFFFC000  }
.Ltmp1:
0x36: {  	[bflag:$0x0] =	sbarrier.arrive $0xFFFF;
	(pc) =	sbr.rel @p0 .LBB2_1-.Ltmp1, $4  }
0x37: {  	[hbm:s9], [sflag:s6] =	dma.local [spmem:s11], $0x2800  }
0x38: {  	_ =	swait.ge [sflag:s12], $0x2800  }
0x39: {  	[sflag:s12] =	ssyncset.done $0x0  }
0x3a: {  	[sflag:s12] =	ssyncadd.s32 $0xFFFFD800  }
0x3b: {  	_ =	sfence.sel $0x180000  }
0x3c: {  	[bflag:$0x0] =	sbarrier.arrive $0xFFFF  }
0x3d: {  	p0 =	sne.s32 s0, $0x0;
	_ =	strace $0x90000050  }
0x3e: {  	s0 =	sadd.s32 @!p0 $0x100000, s1;
	[bflag:$0x2] =	sbarrier.arrive $0xFFFF  }
0x3f: {  	[sflag:s0] =	ssyncadd.tile.s32 @!p0 $0x1;
	_ =	shalt  }
.Lfunc_end2:
_tile_overlayer_lowered:
.L_overlay_start_2:
0x40: {  	(tag) =	ssettag $0x2  }
0x41: {  	s0 =	rddreg [dreg:$0x0];
	s2 =	stileid.u32  }
0x42: {  	s1 =	rddreg [dreg:$0x1];
	p0 =	sne.s32 s2, $0x0  }
0x43: {  	s3 =	rddreg [dreg:$0x2];
	[bflag:$0x3] =	sbarrier.arrive $0xFFFF;
	s2 =	simm.s32 @!p0 $0x1C02  }
0x44: {  	[timem:s3], [sflag:s2] =	dma.local @!p0 [hbm:s0], s1  }
0x45: {  	s0 =	simm.s32 @!p0 $0x2  }
0x46: {  	_ =	swait.ge @!p0 [sflag:s0], s1  }
0x47: {  	s1 =	ssub.s32 @!p0 $0x0, s1;
	[sflag:s0] =	ssyncset.done @!p0 $0x0  }
0x48: {  	[sflag:s0] =	ssyncadd.s32 @!p0 s1  }
0x49: {  	[bflag:$0x3] =	sbarrier.arrive $0xFFFF  }
0x4a: {  	_ =	shalt  }

// kernel: kernel.24.cloned.1.call-start
scs
__scs_entry_jumppad:
0x0: {  	(pc) =	sbr.rel $0x88, $3  }
0x1: {  	(tag) =	ssettag $0x0;
	lr =	simm.s32 $0x1  }
0x2: {  	[smem:$0x3F9B] =	sst lr;
	_ =	strace $0xD0000000  }
0x3: {  	_ = 	snop  }
0x4: {  	_ = 	snop  }
0x5: {  	_ = 	snop  }
0x6: {  	_ = 	snop  }
0x7: {  	_ = 	snop  }
__scs_overlays_trampoline_lowered:
0x8: {  	[smem:$0x3FAA] =	sst s0  }
0x9: {  	[smem:$0x3FAB] =	sst s1  }
0xa: {  	[smem:$0x3FAC] =	sst s2  }
0xb: {  	[smem:$0x3FAD] =	sst s3  }
0xc: {  	[smem:$0x3FAE] =	sst s4  }
0xd: {  	[smem:$0x3FAF] =	sst s5  }
0xe: {  	[smem:$0x3FB0] =	sst s6  }
0xf: {  	[smem:$0x3FB1] =	sst s7  }
0x10: {  	[smem:$0x3FB2] =	sst s8  }
0x11: {  	[smem:$0x3FB3] =	sst s9;
	s0 =	simm.s32 @!p0 $0x0  }
0x12: {  	s1 =	sld [smem:$0x3F99];
	s0 =	simm.s32 @p0 $0x1  }
0x13: {  	[smem:$0x3FB4] =	sst s0;
	s0 =	simm.s32 @!p1 $0x0  }
0x14: {  	s2 =	sld [smem:$0x3F98];
	s0 =	simm.s32 @p1 $0x1  }
0x15: {  	[smem:$0x3FB5] =	sst s0;
	s0 =	simm.s32 @!p2 $0x0  }
0x16: {  	s3 =	sld [smem:$0x3FDB];
	s0 =	simm.s32 @p2 $0x1  }
0x17: {  	s4 =	simm.s32 $0x1BF5;
	[smem:$0x3FB7] =	sst s0  }
0x18: {  	s0 =	sld [smem:$0x3F9A];
	_ =	swait.ge [sflag:s4], $0x0  }
0x19: {  	s7 =	sld [smem:$0x3F9B]  }
0x1a: {  	s8 =	sadd.s32 $0xFFFFE003, lr  }
0x1b: {  	s9 =	sadd.s32 $0xFFFFFEF7, lr;
	s5 =	simm.s32 $0xFFFFFFFF;
	p2 =	slt.u32 s8, $0xFFFFF086  }
0x1c: {  	p1 =	slt.u32 s9, $0xF7A;
	s5 =	simm.s32 @!p2 $0x0  }
0x1d: {  	s5 =	simm.s32 @p1 $0x1;
	p0 =	seq.s32 s7, s2  }
0x1e: {  	s7 =	smul.u32 @!p0 $0xF7A, s2;
	p2 =	seq.s32 @!p0 s5, $0x0  }
0x1f: {  	s9 =	smul.u32 $0xF7A, s1;
	s8 =	simm.s32 @!p0 $0x1BF5;
	p2 =	por !p2, p0  }
0x20: {  	[sflag:s8] =	ssyncset.s32 @!p0 $0xFFFFF086;
	s6 =	sadd.s32 @!p0 s3, s7;
	s7 =	simm.s32 @!p0 $0x108  }
0x21: {  	s3 =	sadd.s32 s3, s9;
	s6 =	sadd.s32 @!p0 $0x88, s6;
	s7 =	simm.s32 @p2 $0x1082  }
0x22: {  	[simem:s7], [sflag:s8] =	dma.local @!p0 [hbm:s6], $0xF7A  }
0x23: {  	s9 =	sor.u32 $0xD0000000, s2;
	s6 =	simm.s32 $0x108;
	_ =	swait.ge @!p0 [sflag:s8], $0x0  }
0x24: {  	s3 =	sadd.s32 $0x88, s3;
	s6 =	simm.s32 @!p1 $0x1082;
	[sflag:s4] =	ssyncset.s32 $0xFFFFF086  }
0x25: {  	[simem:s6], [sflag:s4] =	dma.local [hbm:s3], $0xF7A  }
0x26: {  	[smem:$0x3F9B] =	sst s1;
	(tag) =	ssettag s2;
	_ =	strace s9  }
0x27: {  	s1 =	sld [smem:$0x3FAB]  }
0x28: {  	s2 =	sld [smem:$0x3FAC]  }
0x29: {  	s4 =	sld [smem:$0x3FAE]  }
0x2a: {  	p0 =	seq.s32 s5, $0x0;
	s5 =	sld [smem:$0x3FAF]  }
0x2b: {  	s6 =	sld [smem:$0x3FB0]  }
0x2c: {  	s7 =	sld [smem:$0x3FB1]  }
0x2d: {  	s3 =	simm.s32 $0x108;
	s8 =	sld [smem:$0x3FB2]  }
0x2e: {  	s3 =	simm.s32 @!p0 $0x1082;
	s9 =	sld [smem:$0x3FB3]  }
0x2f: {  	lr =	sadd.s32 s0, s3;
	s0 =	sld [smem:$0x3FAA]  }
0x30: {  	s3 =	sld [smem:$0x3FAD]  }
0x31: {  	[smem:$0x3FB6] =	sst s10  }
0x32: {  	s10 =	sld [smem:$0x3FB4];
	_ =	sdelay $0x3  }
0x33: {  	p0 =	seq.s32 s10, $0x1;
	s10 =	sld [smem:$0x3FB6];
	_ =	sdelay $0x3  }
0x34: {  	[smem:$0x3FB6] =	sst s10  }
0x35: {  	s10 =	sld [smem:$0x3FB5];
	_ =	sdelay $0x3  }
0x36: {  	p1 =	seq.s32 s10, $0x1;
	s10 =	sld [smem:$0x3FB6];
	_ =	sdelay $0x3  }
0x37: {  	[smem:$0x3FB6] =	sst s10  }
0x38: {  	s10 =	sld [smem:$0x3FB7]  }
0x39: {  	_ = 	snop;
	(pc) =	sbr.ind lr, $3  }
0x3a: {  	_ = 	snop  }
0x3b: {  	_ = 	snop  }
0x3c: {  	p2 =	seq.s32 s10, $0x1;
	s10 =	sld [smem:$0x3FB6]  }
0x3d: {  	_ =	shalt  }
0x3e: {  	_ =	shalt  }
0x3f: {  	_ =	shalt  }
0x40: {  	_ =	shalt  }
0x41: {  	_ =	shalt  }
0x42: {  	_ =	shalt  }
0x43: {  	_ =	shalt  }
0x44: {  	_ =	shalt  }
0x45: {  	_ =	shalt  }
0x46: {  	_ =	shalt  }
0x47: {  	_ =	shalt  }
0x48: {  	_ =	shalt  }
0x49: {  	_ =	shalt  }
0x4a: {  	_ =	shalt  }
0x4b: {  	_ =	shalt  }
0x4c: {  	_ =	shalt  }
0x4d: {  	_ =	shalt  }
0x4e: {  	_ =	shalt  }
0x4f: {  	_ =	shalt  }
0x50: {  	_ =	shalt  }
0x51: {  	_ =	shalt  }
0x52: {  	_ =	shalt  }
0x53: {  	_ =	shalt  }
0x54: {  	_ =	shalt  }
0x55: {  	_ =	shalt  }
0x56: {  	_ =	shalt  }
0x57: {  	_ =	shalt  }
0x58: {  	_ =	shalt  }
0x59: {  	_ =	shalt  }
0x5a: {  	_ =	shalt  }
0x5b: {  	_ =	shalt  }
0x5c: {  	_ =	shalt  }
0x5d: {  	_ =	shalt  }
0x5e: {  	_ =	shalt  }
0x5f: {  	_ =	shalt  }
0x60: {  	_ =	shalt  }
0x61: {  	_ =	shalt  }
0x62: {  	_ =	shalt  }
0x63: {  	_ =	shalt  }
0x64: {  	_ =	shalt  }
0x65: {  	_ =	shalt  }
0x66: {  	_ =	shalt  }
0x67: {  	_ =	shalt  }
0x68: {  	_ =	shalt  }
0x69: {  	_ =	shalt  }
0x6a: {  	_ =	shalt  }
0x6b: {  	_ =	shalt  }
0x6c: {  	_ =	shalt  }
0x6d: {  	_ =	shalt  }
0x6e: {  	_ =	shalt  }
0x6f: {  	_ =	shalt  }
0x70: {  	_ =	shalt  }
0x71: {  	_ =	shalt  }
0x72: {  	_ =	shalt  }
0x73: {  	_ =	shalt  }
0x74: {  	_ =	shalt  }
0x75: {  	_ =	shalt  }
0x76: {  	_ =	shalt  }
0x77: {  	_ =	shalt  }
0x78: {  	_ =	shalt  }
0x79: {  	_ =	shalt  }
0x7a: {  	_ =	shalt  }
0x7b: {  	_ =	shalt  }
0x7c: {  	_ =	shalt  }
0x7d: {  	_ =	shalt  }
0x7e: {  	_ =	shalt  }
0x7f: {  	_ =	shalt  }
0x80: {  	_ =	shalt  }
0x81: {  	_ =	shalt  }
0x82: {  	_ =	shalt  }
0x83: {  	_ =	shalt  }
0x84: {  	_ =	shalt  }
0x85: {  	_ =	shalt  }
0x86: {  	_ =	shalt  }
0x87: {  	_ =	shalt  }
.Lfunc_end0:
.L_simem_size_0:
called_computation.4_lowered:
.L_overlay_start_0:
0x88: {  	s2 =	sld [smem:$0x3FD9]  }
0x89: {  	s3 =	sld [smem:$0x3FFE];
	_ =	sdelay $0x1  }
0x8a: {  	s1 =	srdreg.scid  }
0x8b: {  	s0 =	sand.u32 $0x1, s1  }
0x8c: {  	s17 =	sshll.u32 s0, $0xA;
	s2 =	sadd.s32 s3, s2  }
0x8d: {  	s2 =	sadd.s32 s2, s17  }
0x8e: {  	[smem:$0x3FC2] =	sst s2  }
0x8f: {  	_ = 	snop  }
0x90: {  	s2 =	sld [smem:$0x3FD0];
	(tm) =	ssettm $0x1  }
0x91: {  	s18 =	sld [smem:$0x3FFB];
	_ =	sdelay $0x3  }
0x92: {  	_ =	strace s18  }
0x93: {  	s3 =	sld [smem:$0x3FFC];
	_ =	sdelay $0x3  }
0x94: {  	_ =	strace s3  }
0x95: {  	s3 =	sld [smem:$0x3FFD];
	_ =	sdelay $0x3  }
0x96: {  	_ =	strace s3  }
0x97: {  	_ =	strace $0x8FFFFFFF  }
0x98: {  	s19 =	sld [smem:$0x3FDB];
	_ =	sdelay $0x1  }
0x99: {  	s4 =	simm.s32 $_scs_section_size  }
0x9a: {  	s5 =	simm.s32 $_size__tile_overlayer_lowered;
	s6 =	simm.s32 $_tile_overlayer_lowered  }
0x9b: {  	s22 =	simm.s32 $0x1BFF;
	s21 =	sshll.u32 s6, $0x1;
	s3 =	sadd.s32 s4, s19  }
0x9c: {  	s7 =	simm.s32 $0x0;
	s20 =	sshll.u32 s5, $0x1;
	s5 =	sadd.s32 s21, s3  }
0x9d: {  	[timem:s7], [sflag:s22] =	dma.local [hbm:s5], s20  }
0x9e: {  	_ =	swait.ge [sflag:s22], s20  }
0x9f: {  	s4 =	ssub.s32 $0x0, s20;
	[sflag:s22] =	ssyncset.done $0x0  }
0xa0: {  	[sflag:s22] =	ssyncadd.s32 s4;
	_ =	sdelay $0x1  }
0xa1: {  	s23 =	simm.s32 $0x1B8B  }
0xa2: {  	_ =	swait.ge [sflag:s23], $0x1  }
0xa3: {  	[sflag:s23] =	ssyncset.done $0x0  }
0xa4: {  	s25 =	simm.s32 $0x1B8E;
	s24 =	sld [smem:$0x3FFE];
	[sflag:s23] =	ssyncadd.s32 $0xFFFFFFFF  }
0xa5: {  	s26 =	simm.s32 $execute0_lowered;
	[smem:$0x3FD2] =	sst s25  }
0xa6: {  	s5 =	sshll.u32 s26, $0x1;
	_ =	strace $0x80000052;
	[dreg:$0x1] =	wrdreg $0xFFFFFFFF  }
0xa7: {  	s28 =	simm.s32 $_size_execute0_lowered;
	s3 =	sadd.s32 s3, s5;
	[dreg:$0x0] =	wrdreg $0x0  }
0xa8: {  	s5 =	sshll.u32 s28, $0x1;
	[dreg:$0x2] =	wrdreg s3  }
0xa9: {  	[dreg:$0x3] =	wrdreg s5  }
0xaa: {  	[dreg:$0x4] =	wrdreg $0xC0  }
0xab: {  	_ =	task [dreg:s7], $0x5FFFF  }
0xac: {  	[dreg:$0x1] =	wrdreg $0xFFFFFFFF  }
0xad: {  	[dreg:$0x0] =	wrdreg $0x60  }
0xae: {  	[dreg:$0x2] =	wrdreg s24  }
0xaf: {  	[dreg:$0x3] =	wrdreg s2  }
0xb0: {  	[dreg:$0x4] =	wrdreg $0x0  }
0xb1: {  	[dreg:$0x5] =	wrdreg $0x9  }
0xb2: {  	_ =	task.clear_ibuf [dreg:s7], $0x6FFFF;
	_ =	strace $0x90000052  }
0xb3: {  	s29 =	simm.s32 $0x9;
	_ =	strace $0x80000054  }
0xb4: {  	_ =	swait.ge [sflag:s29], $0x1  }
0xb5: {  	[sflag:s29] =	ssyncadd.s32 $0xFFFFFFFF  }
0xb6: {  	_ =	strace $0x90000054  }
0xb7: {  	_ =	sfence  }
0xb8: {  	s30 =	sld [smem:$0x0];
	_ =	sdelay $0x2  }
0xb9: {  	s31 =	sshll.u32 s1, $0xD;
	s1 =	sshrl.u32 s1, $0x2  }
0xba: {  	s3 =	sand.u32 $0x4000, s31;
	s1 =	sadd.s32 s1, s30  }
0xbb: {  	s0 =	sor.u32 s3, s0;
	s1 =	sshll.u32 s1, $0x11  }
0xbc: {  	s0 =	sor.u32 s1, s0  }
0xbd: {  	s0 =	sadd.s32 $0x8F2B, s0  }
0xbe: {  	[sflag:s0] =	ssyncadd.remote.s32 $0x1  }
0xbf: {  	_ =	sfence.sel $0xFFFF  }
0xc0: {  	[dreg:$0x0] =	wrdreg $0xFFFFFFFF;
	(pc) =	sbr.abs _section_cstart, $3  }
0xc1: {  	[dreg:$0x1] =	wrdreg $0xFFFFFFFF  }
0xc2: {  	_ =	task.clear_ibuf [dreg:s7], $0x2FFFF;
	_ =	strace $0x9FFFFFFF  }
0xc3: {  	(tm) =	ssettm $0x7FFFFFFF  }
tec
execute0_lowered:
.L_overlay_start_1:
0x0: {  	(tag) =	ssettag $0x1  }
0x1: {  	s5 =	rddreg [dreg:$0x0]  }
0x2: {  	s9 =	rddreg [dreg:$0x1]  }
0x3: {  	s0 =	srdreg.scid;
	s2 =	rddreg [dreg:$0x2]  }
0x4: {  	s3 =	simm.s32 $0x0;
	s14 =	simm.s32 $0x16800;
	s15 =	simm.s32 $0x80  }
0x5: {  	s16 =	simm.s32 $0x19000;
	s4 =	sand.u32 $0x1, s0;
	s0 =	stileid.u32  }
0x6: {  	s17 =	simm.s32 $0x1;
	s18 =	simm.s32 $0x0;
	s7 =	smul.u32 $0x50000, s0  }
0x7: {  	[smem:$0x7FF] =	sst s3;
	s1 =	sshll.u32 s4, $0x4;
	s10 =	smul.u32 $0x140000, s4  }
0x8: {  	s8 =	ssub.s32 $0x2, s4;
	s4 =	sadd.s32 $0x93600, s5;
	s12 =	smul.u32 $0x14000, s0  }
0x9: {  	s29 =	sshll.u32 s0, $0x6;
	s6 =	sor.u32 s0, s1;
	s1 =	rddreg [dreg:$0x3]  }
0xa: {  	_ =	strace $0x80000053;
	s11 =	sshrl.u32 s8, $0x1;
	s6 =	smul.u32 $0x500, s6  }
0xb: {  	s11 =	ssub.s32 s8, s11;
	s28 =	sshrl.u32 s7, $0x2;
	s30 =	sadd.s32 s12, s10  }
0xc: {  	s12 =	simm.s32 $0x2;
	s31 =	sadd.s32 s28, s2;
	s10 =	sshrl.u32 s30, $0x3  }
0xd: {  	s13 =	sadd.s32 s6, s5;
	s5 =	sadd.s32 $0x40E00, s5;
	s6 =	sor.u32 $0x1C02, s29  }
0xe: {  	s9 =	sadd.s32 s9, s10;
	s10 =	smax.u32 s11, $0x1;
	s11 =	sshrl.u32 s31, $0x3  }
0xf: {  	s7 =	sadd.s32 $0x4E00, s13;
	s8 =	sadd.s32 $0xEE00, s13;
	s13 =	simm.s32 $0x14000  }
.LBB2_1:
0x10: {  	[spmem:s11], [sflag:s6] =	dma.local [hbm:s5], $0x2800  }
0x11: {  	_ =	swait.ge [sflag:s12], $0x2800  }
0x12: {  	[sflag:s12] =	ssyncset.done $0x0  }
0x13: {  	[sflag:s12] =	ssyncadd.s32 $0xFFFFD800  }
0x14: {  	[tilespmem:s13], [sflag:$0x2] =	stream.linear.gather [hbm4b:s7+s3], $0x2780, $0x38;
	[tilespmem:$0x1D000] =	vst v63  }
0x15: {  	_ =	swait.ge [sflag:s12], $0x2780  }
0x16: {  	[sflag:s12] =	ssyncset.done $0x0  }
0x17: {  	[sflag:s12] =	ssyncadd.s32 $0xFFFFD880  }
0x18: {  	[tilespmem:s14], [sflag:$0x2] =	stream.linear.gather [hbm4b:s8+s3], $0x2780, $0x38;
	[tilespmem:$0x1D000] =	vst v63  }
0x19: {  	_ =	swait.ge [sflag:s12], $0x2780  }
0x1a: {  	[sflag:s12] =	ssyncset.done $0x0  }
0x1b: {  	[sflag:s12] =	ssyncadd.s32 $0xFFFFD880  }
0x1c: {  	s19 =	simm.s32 $0x14000;
	[bflag:$0x0] =	sbarrier.arrive $0xFFFF  }
0x1d: {  	[tilespmem:s16], [sflag:$0x1] =	stream.indirect.gather [hbm4b:s4+s15], $0x80, s19, s15, $0xb8;
	[tilespmem:$0x1D000] =	vst v63  }
0x1e: {  	_ =	swait.ge [sflag:s17], $0x4000  }
0x1f: {  	[sflag:s17] =	ssyncset.done $0x0  }
0x20: {  	s31 =	simm.s32 $0x16800;
	[sflag:s17] =	ssyncadd.s32 $0xFFFFC000  }
0x21: {  	[spmem:s2] =	stream.indirect.scatter.add.f32 [tilespmem:s16], [sflag:$0x2], $0x80, s31, s15, $0xb8;
	[tilespmem:$0x1D000] =	vst v63  }
0x22: {  	_ =	swait.ge [sflag:s12], $0x4000  }
0x23: {  	s20 =	simm.s32 $0x400;
	s19 =	simm.s32 $0x80;
	[sflag:s12] =	ssyncset.done $0x0  }
.LBB2_2:
0x24: {  	s21 =	sadd.s32 $0x14000, s19  }
0x25: {  	[sflag:s12] =	ssyncadd.s32 $0xFFFFC000;
	s22 =	smov.u32 s20;
	s23 =	sadd.s32 $0x200, s20  }
0x26: {  	[tilespmem:s16], [sflag:$0x1] =	stream.indirect.gather [hbm4b:s4+s15], $0x80, s21, s15, $0xb8;
	[tilespmem:$0x1D000] =	vst v63  }
0x27: {  	p0 =	sne.s32 s20, $0x9C00;
	_ =	swait.ge [sflag:s17], $0x4000  }
.Ltmp0:
0x28: {  	[sflag:s17] =	ssyncset.done $0x0;
	(pc) =	sbr.rel @p0 .LBB2_2-.Ltmp0, $4  }
0x29: {  	s19 =	sadd.s32 $0x16800, s19;
	[sflag:s17] =	ssyncadd.s32 $0xFFFFC000  }
0x2a: {  	[spmem:s2] =	stream.indirect.scatter.add.f32 [tilespmem:s16], [sflag:$0x2], $0x80, s19, s15, $0xb8;
	[tilespmem:$0x1D000] =	vst v63  }
0x2b: {  	_ =	swait.ge [sflag:s12], $0x4000  }
0x2c: {  	s20 =	smov.u32 s23;
	s19 =	sshra.s32 s22, $0x2;
	[sflag:s12] =	ssyncset.done $0x0  }
0x2d: {  	s20 =	sadd.s32 $0x14000, s19;
	[sflag:s12] =	ssyncadd.s32 $0xFFFFC000  }
0x2e: {  	[tilespmem:s16], [sflag:$0x1] =	stream.indirect.gather [hbm4b:s4+s15], $0x80, s20, s15, $0xb8;
	[tilespmem:$0x1D000] =	vst v63  }
0x2f: {  	_ =	swait.ge [sflag:s17], $0x4000  }
0x30: {  	[sflag:s17] =	ssyncset.done $0x0  }
0x31: {  	s31 =	sadd.s32 $0x16800, s19;
	[sflag:s17] =	ssyncadd.s32 $0xFFFFC000  }
0x32: {  	[spmem:s2] =	stream.indirect.scatter.add.f32 [tilespmem:s16], [sflag:$0x2], $0x80, s31, s15, $0xb8;
	[tilespmem:$0x1D000] =	vst v63  }
0x33: {  	_ =	swait.ge [sflag:s12], $0x4000  }
0x34: {  	s18 =	sadd.s32 $0x1, s18;
	[sflag:s12] =	ssyncset.done $0x0  }
0x35: {  	p0 =	sne.s32 s18, s10;
	[sflag:s12] =	ssyncadd.s32 $0xFFFFC000  }
.Ltmp1:
0x36: {  	[bflag:$0x0] =	sbarrier.arrive $0xFFFF;
	(pc) =	sbr.rel @p0 .LBB2_1-.Ltmp1, $4  }
0x37: {  	[hbm:s9], [sflag:s6] =	dma.local [spmem:s11], $0x2800  }
0x38: {  	_ =	swait.ge [sflag:s12], $0x2800  }
0x39: {  	[sflag:s12] =	ssyncset.done $0x0  }
0x3a: {  	[sflag:s12] =	ssyncadd.s32 $0xFFFFD800  }
0x3b: {  	_ =	sfence.sel $0x180000  }
0x3c: {  	[bflag:$0x0] =	sbarrier.arrive $0xFFFF  }
0x3d: {  	p0 =	sne.s32 s0, $0x0;
	_ =	strace $0x90000053  }
0x3e: {  	s0 =	sadd.s32 @!p0 $0x100000, s1;
	[bflag:$0x2] =	sbarrier.arrive $0xFFFF  }
0x3f: {  	[sflag:s0] =	ssyncadd.tile.s32 @!p0 $0x1;
	_ =	shalt  }
.Lfunc_end2:
_tile_overlayer_lowered:
.L_overlay_start_2:
0x40: {  	(tag) =	ssettag $0x2  }
0x41: {  	s0 =	rddreg [dreg:$0x0];
	s2 =	stileid.u32  }
0x42: {  	s1 =	rddreg [dreg:$0x1];
	p0 =	sne.s32 s2, $0x0  }
0x43: {  	s3 =	rddreg [dreg:$0x2];
	[bflag:$0x3] =	sbarrier.arrive $0xFFFF;
	s2 =	simm.s32 @!p0 $0x1C02  }
0x44: {  	[timem:s3], [sflag:s2] =	dma.local @!p0 [hbm:s0], s1  }
0x45: {  	s0 =	simm.s32 @!p0 $0x2  }
0x46: {  	_ =	swait.ge @!p0 [sflag:s0], s1  }
0x47: {  	s1 =	ssub.s32 @!p0 $0x0, s1;
	[sflag:s0] =	ssyncset.done @!p0 $0x0  }
0x48: {  	[sflag:s0] =	ssyncadd.s32 @!p0 s1  }
0x49: {  	[bflag:$0x3] =	sbarrier.arrive $0xFFFF  }
0x4a: {  	_ =	shalt  }

</sc_bundles>
